<compile_context>
chip_gen: v7x
topology: tpu7x:2x2x1
jax: 0.10.2.dev20260603
libtpu: 0.0.44.dev20260713+nightly
codegen_flags: <defaults>
</compile_context>

<pallas_src>
import dataclasses

import jax
import jax.numpy as jnp
from jax import lax
from jax.experimental import pallas as pl
from jax.experimental.pallas import tpu as pltpu
from jax.experimental.pallas import tpu_sc as plsc

N = 10000
E = 320000
D = 128

NP = 10240
BR = 2048
C = 128
NTILES = 32
NCH = 81
EPT = NCH * C
EP = NTILES * EPT
ACC_ROWS = 10112
STRIPE = ACC_ROWS // 16

_mesh = plsc.VectorSubcoreMesh(core_axis_name="c", subcore_axis_name="s")

_sc_params = pltpu.CompilerParams()
if "needs_layout_passes" in pltpu.CompilerParams.__dataclass_fields__:
    _sc_params = dataclasses.replace(_sc_params, needs_layout_passes=False)



def _deg_body(dst_hbm, zn_hbm, o_hbm, idx_v, hist_v, sem):
    cid = lax.axis_index("c")
    sid = lax.axis_index("s")
    wid = cid * 16 + sid
    pltpu.async_copy(dst_hbm.at[pl.ds(wid * EPT, EPT)], idx_v, sem).wait()
    pltpu.sync_copy(zn_hbm, hist_v)
    ones = jnp.full((16,), 1.0, jnp.float32)

    @pl.loop(0, EPT, step=64)
    def _(i):
        for u in range(4):
            idx = idx_v[pl.ds(i + u * 16, 16)]
            plsc.addupdate_scatter(hist_v, [idx], ones)

    pltpu.sync_copy(hist_v, o_hbm.at[wid])


def _sc_degree(dst_flat, zeros_n):
    kern = pl.kernel(
        _deg_body,
        out_type=jax.ShapeDtypeStruct((NTILES, NP), jnp.float32),
        mesh=_mesh,
        scratch_types=[
            pltpu.VMEM((EPT,), jnp.int32),
            pltpu.VMEM((NP,), jnp.float32),
            pltpu.SemaphoreType.DMA,
        ],
        compiler_params=_sc_params,
    )
    return kern(dst_flat, zeros_n)


def _scat_body(g_hbm, src_hbm, dst_hbm, zr_hbm, o_hbm,
               si0, si1, si2, di0, di1, di2, buf0, buf1, buf2, acc,
               qi0, qi1, qi2, ri0, ri1, ri2, sg0, sg1, sg2, ss0, ss1, ss2):
    cid = lax.axis_index("c")
    sid = lax.axis_index("s")
    wid = cid * 16 + sid
    base = wid * NCH
    sis = (si0, si1, si2)
    dis = (di0, di1, di2)
    bufs = (buf0, buf1, buf2)
    qis = (qi0, qi1, qi2)
    ris = (ri0, ri1, ri2)
    sgs = (sg0, sg1, sg2)
    sss = (ss0, ss1, ss2)

    for k in range(3):
        pltpu.async_copy(src_hbm.at[base + k], sis[k], qis[k])
        pltpu.async_copy(dst_hbm.at[base + k], dis[k], ris[k])
    pltpu.sync_copy(zr_hbm, acc.at[pl.ds(sid * STRIPE, STRIPE)])

    for k in range(3):
        pltpu.make_async_copy(src_hbm.at[base + k], sis[k], qis[k]).wait()
        pltpu.async_copy(g_hbm.at[sis[k]], bufs[k], sgs[k])
    plsc.subcore_barrier()

    @pl.loop(0, NCH - 3, step=3)
    def _(j):
        for k in range(3):
            pltpu.make_async_copy(g_hbm.at[sis[k]], bufs[k], sgs[k]).wait()
            pltpu.async_copy(src_hbm.at[base + j + k + 3], sis[k], qis[k])
            pltpu.make_async_copy(dst_hbm.at[base], dis[k], ris[k]).wait()
            pltpu.async_copy(bufs[k], acc.at[dis[k]], sss[k], add=True)
        for k in range(3):
            pltpu.make_async_copy(bufs[k], acc.at[dis[k]], sss[k]).wait()
            pltpu.async_copy(dst_hbm.at[base + j + k + 3], dis[k], ris[k])
            pltpu.make_async_copy(src_hbm.at[base], sis[k], qis[k]).wait()
            pltpu.async_copy(g_hbm.at[sis[k]], bufs[k], sgs[k])

    for k in range(3):
        pltpu.make_async_copy(g_hbm.at[sis[k]], bufs[k], sgs[k]).wait()
        pltpu.make_async_copy(dst_hbm.at[base], dis[k], ris[k]).wait()
        pltpu.async_copy(bufs[k], acc.at[dis[k]], sss[k], add=True)
    for k in range(3):
        pltpu.make_async_copy(bufs[k], acc.at[dis[k]], sss[k]).wait()
    plsc.subcore_barrier()

    pltpu.sync_copy(acc.at[pl.ds(sid * STRIPE, STRIPE)],
                    o_hbm.at[cid, pl.ds(sid * STRIPE, STRIPE)])


def _sc_scatter(g, src2d, dst2d, zrow):
    kern = pl.kernel(
        _scat_body,
        out_type=jax.ShapeDtypeStruct((2, NP, D), jnp.float32),
        mesh=_mesh,
        scratch_types=(
            [pltpu.VMEM((C,), jnp.int32)] * 6
            + [pltpu.VMEM((C, D), jnp.float32)] * 3
            + [pltpu.VMEM_SHARED((ACC_ROWS, D), jnp.float32)]
            + [pltpu.SemaphoreType.DMA] * 12
        ),
    )
    return kern(g, src2d, dst2d, zrow)



def _dinv_of(hist_ref):
    return lax.rsqrt(jnp.sum(hist_ref[...], axis=0) + 1.0)


def _tc1_body(hist_ref, x_ref, w_ref, g_ref):
    dinv = _dinv_of(hist_ref)
    m = jnp.dot(x_ref[...], w_ref[...], preferred_element_type=jnp.float32)
    g_ref[...] = m * dinv[:, None]


def _tc2_body(hist_ref, a_ref, g1_ref, b1_ref, w_ref, g2_ref):
    dinv = _dinv_of(hist_ref)
    h = dinv[:, None] * (a_ref[0] + a_ref[1] + g1_ref[...]) + b1_ref[...][None, :]
    h = jnp.maximum(h, 0.0)
    m = jnp.dot(h, w_ref[...], preferred_element_type=jnp.float32)
    g2_ref[...] = m * dinv[:, None]


def _tc3_body(hist_ref, a_ref, g2_ref, b2_ref, o_ref):
    dinv = _dinv_of(hist_ref)
    o_ref[...] = (dinv[:, None] * (a_ref[0] + a_ref[1] + g2_ref[...])
                  + b2_ref[...][None, :])


_HIST_SPEC = pl.BlockSpec((NTILES, BR), lambda i: (0, i))
_ROW_SPEC = pl.BlockSpec((BR, D), lambda i: (i, 0))
_ACC_SPEC = pl.BlockSpec((2, BR, D), lambda i: (0, i, 0))
_VEC_SPEC = pl.BlockSpec((D,), lambda i: (0,))
_W_SPEC = pl.BlockSpec((D, D), lambda i: (0, 0))
_OUT_ROW = jax.ShapeDtypeStruct((NP, D), jnp.float32)


def _tc1(hist, x_p, W1):
    return pl.pallas_call(
        _tc1_body,
        grid=(NP // BR,),
        in_specs=[_HIST_SPEC, _ROW_SPEC, _W_SPEC],
        out_specs=_ROW_SPEC,
        out_shape=_OUT_ROW,
    )(hist, x_p, W1)


def _tc2(hist, acc, g1, b1, W2):
    return pl.pallas_call(
        _tc2_body,
        grid=(NP // BR,),
        in_specs=[_HIST_SPEC, _ACC_SPEC, _ROW_SPEC, _VEC_SPEC, _W_SPEC],
        out_specs=_ROW_SPEC,
        out_shape=_OUT_ROW,
    )(hist, acc, g1, b1, W2)


def _tc3(hist, acc, g2, b2):
    return pl.pallas_call(
        _tc3_body,
        grid=(NP // BR,),
        in_specs=[_HIST_SPEC, _ACC_SPEC, _ROW_SPEC, _VEC_SPEC],
        out_specs=_ROW_SPEC,
        out_shape=_OUT_ROW,
    )(hist, acc, g2, b2)



def kernel(x, edge_index, W1, b1, W2, b2):
    src = edge_index[0]
    dst = edge_index[1]
    pad_i = jnp.arange(EP - E, dtype=jnp.int32)
    src_p = jnp.concatenate([src, pad_i % N])
    dst_p = jnp.concatenate([dst, N + pad_i % (ACC_ROWS - N)])
    src2d = src_p.reshape(NCH, NTILES, C).transpose(1, 0, 2).reshape(NTILES * NCH, C)
    dst2d = dst_p.reshape(NCH, NTILES, C).transpose(1, 0, 2).reshape(NTILES * NCH, C)
    x_p = jnp.concatenate([x, jnp.zeros((NP - N, D), jnp.float32)])
    zeros_n = jnp.zeros((NP,), jnp.float32)
    zrow = jnp.zeros((STRIPE, D), jnp.float32)

    hist = _sc_degree(dst_p, zeros_n)
    g1 = _tc1(hist, x_p, W1)
    acc1 = _sc_scatter(g1, src2d, dst2d, zrow)
    g2 = _tc2(hist, acc1, g1, b1, W2)
    acc2 = _sc_scatter(g2, src2d, dst2d, zrow)
    out = _tc3(hist, acc2, g2, b2)
    return out[:N]

# --- scband reference (transcript-rebuilt; emitter-appended) ---
"""Pipeline reference for scband-gmiexpert-79422535238244 (READ-ONLY COPY).

The authoritative reference and input builder live on the scoring server;
editing this copy changes nothing except your own understanding.
"""

import jax, jax.numpy as jnp
import numpy as np

N = 10000
E = 320000
D = 128

def setup_inputs(seed: int = 0) -> dict:
    key = jax.random.key(seed)
    k1, k2, k3, k4 = jax.random.split(key, 4)
    x = jax.random.normal(k1, (N, D), dtype=jnp.float32)
    edge_index = jax.random.randint(k2, (2, E), 0, N, dtype=jnp.int32)
    W1 = jax.random.normal(k3, (D, D), dtype=jnp.float32) * 0.05
    b1 = jnp.zeros((D,), dtype=jnp.float32)
    W2 = jax.random.normal(k4, (D, D), dtype=jnp.float32) * 0.05
    b2 = jnp.zeros((D,), dtype=jnp.float32)
    return {"x": x, "edge_index": edge_index, "W1": W1, "b1": b1, "W2": W2, "b2": b2}

def _gcn_layer(x, W, b, src, dst, n_nodes):
    # GCNConv with added self-loops and symmetric normalization (PyG semantics)
    loop = jnp.arange(n_nodes, dtype=src.dtype)
    s = jnp.concatenate([src, loop])
    d = jnp.concatenate([dst, loop])
    deg = jnp.zeros((n_nodes,), dtype=x.dtype).at[d].add(1.0)
    dinv = jnp.where(deg > 0, jax.lax.rsqrt(deg), 0.0)
    norm = dinv[s] * dinv[d]
    h = x @ W
    msg = h[s] * norm[:, None]
    out = jax.ops.segment_sum(msg, d, num_segments=n_nodes)
    return out + b

def reference(x, edge_index, W1, b1, W2, b2):
    src = edge_index[0]
    dst = edge_index[1]
    h1 = jax.nn.relu(_gcn_layer(x, W1, b1, src, dst, N))
    # dropout is identity in eval/reference mode
    h2 = _gcn_layer(h1, W2, b2, src, dst, N)
    return h2

if __name__ == "__main__":
    import jax
    _d = setup_inputs()
    print(jax.jit(kernel)(*tuple(_d.values())))

</pallas_src>

<mosaic_0001>
#map = affine_map<(d0, d1) -> (0, 0)>
#map1 = affine_map<(d0, d1) -> (0, 0, 0)>
module attributes {stable_mosaic.version = 14 : i64} {
  func.func @_scat_body(%arg0: i32, %arg1: i32, %arg2: memref<10240x128xf32, #tpu.memory_space<hbm>>, %arg3: memref<2592x128xi32, #tpu.memory_space<hbm>>, %arg4: memref<2592x128xi32, #tpu.memory_space<hbm>>, %arg5: memref<632x128xf32, #tpu.memory_space<hbm>>, %arg6: memref<2x10240x128xf32, #tpu.memory_space<hbm>>, %arg7: memref<128xi32, #tpu.memory_space<vmem>>, %arg8: memref<128xi32, #tpu.memory_space<vmem>>, %arg9: memref<128xi32, #tpu.memory_space<vmem>>, %arg10: memref<128xi32, #tpu.memory_space<vmem>>, %arg11: memref<128xi32, #tpu.memory_space<vmem>>, %arg12: memref<128xi32, #tpu.memory_space<vmem>>, %arg13: memref<128x128xf32, #tpu.memory_space<vmem>>, %arg14: memref<128x128xf32, #tpu.memory_space<vmem>>, %arg15: memref<128x128xf32, #tpu.memory_space<vmem>>, %arg16: memref<10112x128xf32, #tpu.memory_space<vmem_shared>>, %arg17: memref<!tpu.dma_semaphore, #tpu.memory_space<semaphore_mem>>, %arg18: memref<!tpu.dma_semaphore, #tpu.memory_space<semaphore_mem>>, %arg19: memref<!tpu.dma_semaphore, #tpu.memory_space<semaphore_mem>>, %arg20: memref<!tpu.dma_semaphore, #tpu.memory_space<semaphore_mem>>, %arg21: memref<!tpu.dma_semaphore, #tpu.memory_space<semaphore_mem>>, %arg22: memref<!tpu.dma_semaphore, #tpu.memory_space<semaphore_mem>>, %arg23: memref<!tpu.dma_semaphore, #tpu.memory_space<semaphore_mem>>, %arg24: memref<!tpu.dma_semaphore, #tpu.memory_space<semaphore_mem>>, %arg25: memref<!tpu.dma_semaphore, #tpu.memory_space<semaphore_mem>>, %arg26: memref<!tpu.dma_semaphore, #tpu.memory_space<semaphore_mem>>, %arg27: memref<!tpu.dma_semaphore, #tpu.memory_space<semaphore_mem>>, %arg28: memref<!tpu.dma_semaphore, #tpu.memory_space<semaphore_mem>>) attributes {dimension_semantics = [#tpu.dimension_semantics<core_parallel>, #tpu.dimension_semantics<subcore_parallel>], iteration_bounds = array<i64: 2, 16>, scalar_prefetch = 0 : i64, scratch_operands = 22 : i64, tpu.core_type = #tpu.core_type<sc_vector_subcore>, window_params = [{transform_indices = #map}, {transform_indices = #map}, {transform_indices = #map}, {transform_indices = #map}, {transform_indices = #map1}]} {
    %mul3A = arith.constant 16 : i32
    %mul3A_0 = arith.muli %arg0, %mul3A : i32
    %add3A = arith.addi %mul3A_0, %arg1 : i32
    %mul3A_1 = arith.constant 81 : i32
    %mul3A_2 = arith.muli %add3A, %mul3A_1 : i32
    %add3A_3 = arith.constant 0 : i32
    %add3A_4 = arith.addi %mul3A_2, %add3A_3 : i32
    %dma_start3A = arith.constant 0 : i32
    %dma_start3A_5 = tpu.memref_slice %arg3[%add3A_4, %dma_start3A] : memref<2592x128xi32, #tpu.memory_space<hbm>> -> memref<1x128xi32, #tpu.memory_space<hbm>>
    %dma_start3A_6 = tpu.memref_squeeze %dma_start3A_5 : memref<1x128xi32, #tpu.memory_space<hbm>> -> memref<128xi32, #tpu.memory_space<hbm>>
    %dma_start3A_7 = arith.constant 0 : i32
    %dma_start3A_8 = tpu.memref_slice %arg3[%add3A_4, %dma_start3A_7] : memref<2592x128xi32, #tpu.memory_space<hbm>> -> memref<1x128xi32, #tpu.memory_space<hbm>>
    %dma_start3A_9 = tpu.memref_squeeze %dma_start3A_8 : memref<1x128xi32, #tpu.memory_space<hbm>> -> memref<128xi32, #tpu.memory_space<hbm>>
    tpu.enqueue_dma source(%dma_start3A_9 : memref<128xi32, #tpu.memory_space<hbm>>) target(%arg7 : memref<128xi32, #tpu.memory_space<vmem>>) target_semaphore(%arg17 : memref<!tpu.dma_semaphore, #tpu.memory_space<semaphore_mem>>)
    %add3A_10 = arith.constant 0 : i32
    %add3A_11 = arith.addi %mul3A_2, %add3A_10 : i32
    %dma_start3A_12 = arith.constant 0 : i32
    %dma_start3A_13 = tpu.memref_slice %arg4[%add3A_11, %dma_start3A_12] : memref<2592x128xi32, #tpu.memory_space<hbm>> -> memref<1x128xi32, #tpu.memory_space<hbm>>
    %dma_start3A_14 = tpu.memref_squeeze %dma_start3A_13 : memref<1x128xi32, #tpu.memory_space<hbm>> -> memref<128xi32, #tpu.memory_space<hbm>>
    %dma_start3A_15 = arith.constant 0 : i32
    %dma_start3A_16 = tpu.memref_slice %arg4[%add3A_11, %dma_start3A_15] : memref<2592x128xi32, #tpu.memory_space<hbm>> -> memref<1x128xi32, #tpu.memory_space<hbm>>
    %dma_start3A_17 = tpu.memref_squeeze %dma_start3A_16 : memref<1x128xi32, #tpu.memory_space<hbm>> -> memref<128xi32, #tpu.memory_space<hbm>>
    tpu.enqueue_dma source(%dma_start3A_17 : memref<128xi32, #tpu.memory_space<hbm>>) target(%arg10 : memref<128xi32, #tpu.memory_space<vmem>>) target_semaphore(%arg20 : memref<!tpu.dma_semaphore, #tpu.memory_space<semaphore_mem>>)
    %add3A_18 = arith.constant 1 : i32
    %add3A_19 = arith.addi %mul3A_2, %add3A_18 : i32
    %dma_start3A_20 = arith.constant 0 : i32
    %dma_start3A_21 = tpu.memref_slice %arg3[%add3A_19, %dma_start3A_20] : memref<2592x128xi32, #tpu.memory_space<hbm>> -> memref<1x128xi32, #tpu.memory_space<hbm>>
    %dma_start3A_22 = tpu.memref_squeeze %dma_start3A_21 : memref<1x128xi32, #tpu.memory_space<hbm>> -> memref<128xi32, #tpu.memory_space<hbm>>
    %dma_start3A_23 = arith.constant 0 : i32
    %dma_start3A_24 = tpu.memref_slice %arg3[%add3A_19, %dma_start3A_23] : memref<2592x128xi32, #tpu.memory_space<hbm>> -> memref<1x128xi32, #tpu.memory_space<hbm>>
    %dma_start3A_25 = tpu.memref_squeeze %dma_start3A_24 : memref<1x128xi32, #tpu.memory_space<hbm>> -> memref<128xi32, #tpu.memory_space<hbm>>
    tpu.enqueue_dma source(%dma_start3A_25 : memref<128xi32, #tpu.memory_space<hbm>>) target(%arg8 : memref<128xi32, #tpu.memory_space<vmem>>) target_semaphore(%arg18 : memref<!tpu.dma_semaphore, #tpu.memory_space<semaphore_mem>>)
    %add3A_26 = arith.constant 1 : i32
    %add3A_27 = arith.addi %mul3A_2, %add3A_26 : i32
    %dma_start3A_28 = arith.constant 0 : i32
    %dma_start3A_29 = tpu.memref_slice %arg4[%add3A_27, %dma_start3A_28] : memref<2592x128xi32, #tpu.memory_space<hbm>> -> memref<1x128xi32, #tpu.memory_space<hbm>>
    %dma_start3A_30 = tpu.memref_squeeze %dma_start3A_29 : memref<1x128xi32, #tpu.memory_space<hbm>> -> memref<128xi32, #tpu.memory_space<hbm>>
    %dma_start3A_31 = arith.constant 0 : i32
    %dma_start3A_32 = tpu.memref_slice %arg4[%add3A_27, %dma_start3A_31] : memref<2592x128xi32, #tpu.memory_space<hbm>> -> memref<1x128xi32, #tpu.memory_space<hbm>>
    %dma_start3A_33 = tpu.memref_squeeze %dma_start3A_32 : memref<1x128xi32, #tpu.memory_space<hbm>> -> memref<128xi32, #tpu.memory_space<hbm>>
    tpu.enqueue_dma source(%dma_start3A_33 : memref<128xi32, #tpu.memory_space<hbm>>) target(%arg11 : memref<128xi32, #tpu.memory_space<vmem>>) target_semaphore(%arg21 : memref<!tpu.dma_semaphore, #tpu.memory_space<semaphore_mem>>)
    %add3A_34 = arith.constant 2 : i32
    %add3A_35 = arith.addi %mul3A_2, %add3A_34 : i32
    %dma_start3A_36 = arith.constant 0 : i32
    %dma_start3A_37 = tpu.memref_slice %arg3[%add3A_35, %dma_start3A_36] : memref<2592x128xi32, #tpu.memory_space<hbm>> -> memref<1x128xi32, #tpu.memory_space<hbm>>
    %dma_start3A_38 = tpu.memref_squeeze %dma_start3A_37 : memref<1x128xi32, #tpu.memory_space<hbm>> -> memref<128xi32, #tpu.memory_space<hbm>>
    %dma_start3A_39 = arith.constant 0 : i32
    %dma_start3A_40 = tpu.memref_slice %arg3[%add3A_35, %dma_start3A_39] : memref<2592x128xi32, #tpu.memory_space<hbm>> -> memref<1x128xi32, #tpu.memory_space<hbm>>
    %dma_start3A_41 = tpu.memref_squeeze %dma_start3A_40 : memref<1x128xi32, #tpu.memory_space<hbm>> -> memref<128xi32, #tpu.memory_space<hbm>>
    tpu.enqueue_dma source(%dma_start3A_41 : memref<128xi32, #tpu.memory_space<hbm>>) target(%arg9 : memref<128xi32, #tpu.memory_space<vmem>>) target_semaphore(%arg19 : memref<!tpu.dma_semaphore, #tpu.memory_space<semaphore_mem>>)
    %add3A_42 = arith.constant 2 : i32
    %add3A_43 = arith.addi %mul3A_2, %add3A_42 : i32
    %dma_start3A_44 = arith.constant 0 : i32
    %dma_start3A_45 = tpu.memref_slice %arg4[%add3A_43, %dma_start3A_44] : memref<2592x128xi32, #tpu.memory_space<hbm>> -> memref<1x128xi32, #tpu.memory_space<hbm>>
    %dma_start3A_46 = tpu.memref_squeeze %dma_start3A_45 : memref<1x128xi32, #tpu.memory_space<hbm>> -> memref<128xi32, #tpu.memory_space<hbm>>
    %dma_start3A_47 = arith.constant 0 : i32
    %dma_start3A_48 = tpu.memref_slice %arg4[%add3A_43, %dma_start3A_47] : memref<2592x128xi32, #tpu.memory_space<hbm>> -> memref<1x128xi32, #tpu.memory_space<hbm>>
    %dma_start3A_49 = tpu.memref_squeeze %dma_start3A_48 : memref<1x128xi32, #tpu.memory_space<hbm>> -> memref<128xi32, #tpu.memory_space<hbm>>
    tpu.enqueue_dma source(%dma_start3A_49 : memref<128xi32, #tpu.memory_space<hbm>>) target(%arg12 : memref<128xi32, #tpu.memory_space<vmem>>) target_semaphore(%arg22 : memref<!tpu.dma_semaphore, #tpu.memory_space<semaphore_mem>>)
    %mul3A_50 = arith.constant 632 : i32
    %mul3A_51 = arith.muli %arg1, %mul3A_50 : i32
    "tpu.region"() ({
      %run_scoped3A = tpu.sem_alloc : memref<!tpu.dma_semaphore, #tpu.memory_space<semaphore_mem>>
      %dma_start3A_138 = arith.constant 0 : i32
      %dma_start3A_139 = tpu.memref_slice %arg16[%mul3A_51, %dma_start3A_138] : memref<10112x128xf32, #tpu.memory_space<vmem_shared>> -> memref<632x128xf32, #tpu.memory_space<vmem_shared>>
      tpu.enqueue_dma source(%arg5 : memref<632x128xf32, #tpu.memory_space<hbm>>) target(%dma_start3A_139 : memref<632x128xf32, #tpu.memory_space<vmem_shared>>) target_semaphore(%run_scoped3A : memref<!tpu.dma_semaphore, #tpu.memory_space<semaphore_mem>>)
      %dma_wait3A_140 = arith.constant 0 : i32
      %dma_wait3A_141 = tpu.memref_slice %arg16[%mul3A_51, %dma_wait3A_140] : memref<10112x128xf32, #tpu.memory_space<vmem_shared>> -> memref<632x128xf32, #tpu.memory_space<vmem_shared>>
      tpu.wait_dma2 semaphore(%run_scoped3A : memref<!tpu.dma_semaphore, #tpu.memory_space<semaphore_mem>>) src(%arg5 : memref<632x128xf32, #tpu.memory_space<hbm>>) dst(%dma_wait3A_141 : memref<632x128xf32, #tpu.memory_space<vmem_shared>>)
      tpu.yield
    }) : () -> ()
    %add3A_52 = arith.constant 0 : i32
    %add3A_53 = arith.addi %mul3A_2, %add3A_52 : i32
    %dma_wait3A = arith.constant 0 : i32
    %dma_wait3A_54 = tpu.memref_slice %arg3[%add3A_53, %dma_wait3A] : memref<2592x128xi32, #tpu.memory_space<hbm>> -> memref<1x128xi32, #tpu.memory_space<hbm>>
    %dma_wait3A_55 = tpu.memref_squeeze %dma_wait3A_54 : memref<1x128xi32, #tpu.memory_space<hbm>> -> memref<128xi32, #tpu.memory_space<hbm>>
    %dma_wait3A_56 = arith.constant 0 : i32
    %dma_wait3A_57 = tpu.memref_slice %arg3[%add3A_53, %dma_wait3A_56] : memref<2592x128xi32, #tpu.memory_space<hbm>> -> memref<1x128xi32, #tpu.memory_space<hbm>>
    %dma_wait3A_58 = tpu.memref_squeeze %dma_wait3A_57 : memref<1x128xi32, #tpu.memory_space<hbm>> -> memref<128xi32, #tpu.memory_space<hbm>>
    tpu.wait_dma2 semaphore(%arg17 : memref<!tpu.dma_semaphore, #tpu.memory_space<semaphore_mem>>) src(%dma_wait3A_58 : memref<128xi32, #tpu.memory_space<hbm>>) dst(%arg7 : memref<128xi32, #tpu.memory_space<vmem>>)
    %dma_start3A_59 = arith.constant 0 : i32
    %dma_start3A_60 = arith.constant 0 : i32
    %dma_start3A_61 = tpu.memref_slice %arg2[%dma_start3A_59, %dma_start3A_60] : memref<10240x128xf32, #tpu.memory_space<hbm>> -> memref<10240x128xf32, #tpu.memory_space<hbm>>
    tpu.enqueue_indirect_dma source(%dma_start3A_61 : memref<10240x128xf32, #tpu.memory_space<hbm>>) target(%arg13 : memref<128x128xf32, #tpu.memory_space<vmem>>) offsets(%arg7 : memref<128xi32, #tpu.memory_space<vmem>>) semaphore(%arg23 : memref<!tpu.dma_semaphore, #tpu.memory_space<semaphore_mem>>)
    %add3A_62 = arith.constant 1 : i32
    %add3A_63 = arith.addi %mul3A_2, %add3A_62 : i32
    %dma_wait3A_64 = arith.constant 0 : i32
    %dma_wait3A_65 = tpu.memref_slice %arg3[%add3A_63, %dma_wait3A_64] : memref<2592x128xi32, #tpu.memory_space<hbm>> -> memref<1x128xi32, #tpu.memory_space<hbm>>
    %dma_wait3A_66 = tpu.memref_squeeze %dma_wait3A_65 : memref<1x128xi32, #tpu.memory_space<hbm>> -> memref<128xi32, #tpu.memory_space<hbm>>
    %dma_wait3A_67 = arith.constant 0 : i32
    %dma_wait3A_68 = tpu.memref_slice %arg3[%add3A_63, %dma_wait3A_67] : memref<2592x128xi32, #tpu.memory_space<hbm>> -> memref<1x128xi32, #tpu.memory_space<hbm>>
    %dma_wait3A_69 = tpu.memref_squeeze %dma_wait3A_68 : memref<1x128xi32, #tpu.memory_space<hbm>> -> memref<128xi32, #tpu.memory_space<hbm>>
    tpu.wait_dma2 semaphore(%arg18 : memref<!tpu.dma_semaphore, #tpu.memory_space<semaphore_mem>>) src(%dma_wait3A_69 : memref<128xi32, #tpu.memory_space<hbm>>) dst(%arg8 : memref<128xi32, #tpu.memory_space<vmem>>)
    %dma_start3A_70 = arith.constant 0 : i32
    %dma_start3A_71 = arith.constant 0 : i32
    %dma_start3A_72 = tpu.memref_slice %arg2[%dma_start3A_70, %dma_start3A_71] : memref<10240x128xf32, #tpu.memory_space<hbm>> -> memref<10240x128xf32, #tpu.memory_space<hbm>>
    tpu.enqueue_indirect_dma source(%dma_start3A_72 : memref<10240x128xf32, #tpu.memory_space<hbm>>) target(%arg14 : memref<128x128xf32, #tpu.memory_space<vmem>>) offsets(%arg8 : memref<128xi32, #tpu.memory_space<vmem>>) semaphore(%arg24 : memref<!tpu.dma_semaphore, #tpu.memory_space<semaphore_mem>>)
    %add3A_73 = arith.constant 2 : i32
    %add3A_74 = arith.addi %mul3A_2, %add3A_73 : i32
    %dma_wait3A_75 = arith.constant 0 : i32
    %dma_wait3A_76 = tpu.memref_slice %arg3[%add3A_74, %dma_wait3A_75] : memref<2592x128xi32, #tpu.memory_space<hbm>> -> memref<1x128xi32, #tpu.memory_space<hbm>>
    %dma_wait3A_77 = tpu.memref_squeeze %dma_wait3A_76 : memref<1x128xi32, #tpu.memory_space<hbm>> -> memref<128xi32, #tpu.memory_space<hbm>>
    %dma_wait3A_78 = arith.constant 0 : i32
    %dma_wait3A_79 = tpu.memref_slice %arg3[%add3A_74, %dma_wait3A_78] : memref<2592x128xi32, #tpu.memory_space<hbm>> -> memref<1x128xi32, #tpu.memory_space<hbm>>
    %dma_wait3A_80 = tpu.memref_squeeze %dma_wait3A_79 : memref<1x128xi32, #tpu.memory_space<hbm>> -> memref<128xi32, #tpu.memory_space<hbm>>
    tpu.wait_dma2 semaphore(%arg19 : memref<!tpu.dma_semaphore, #tpu.memory_space<semaphore_mem>>) src(%dma_wait3A_80 : memref<128xi32, #tpu.memory_space<hbm>>) dst(%arg9 : memref<128xi32, #tpu.memory_space<vmem>>)
    %dma_start3A_81 = arith.constant 0 : i32
    %dma_start3A_82 = arith.constant 0 : i32
    %dma_start3A_83 = tpu.memref_slice %arg2[%dma_start3A_81, %dma_start3A_82] : memref<10240x128xf32, #tpu.memory_space<hbm>> -> memref<10240x128xf32, #tpu.memory_space<hbm>>
    tpu.enqueue_indirect_dma source(%dma_start3A_83 : memref<10240x128xf32, #tpu.memory_space<hbm>>) target(%arg15 : memref<128x128xf32, #tpu.memory_space<vmem>>) offsets(%arg9 : memref<128xi32, #tpu.memory_space<vmem>>) semaphore(%arg25 : memref<!tpu.dma_semaphore, #tpu.memory_space<semaphore_mem>>)
    %barrier3A = arith.constant 0 : index
    tpu.barrier barrier_id(%barrier3A)
    %scan3A = arith.constant 0 : i32
    %scan3A_84 = arith.constant 26 : i32
    %scan3A_85 = arith.addi %scan3A, %scan3A_84 : i32
    %scan3A_86 = arith.constant 1 : i32
    scf.for %scan3A_138 = %scan3A to %scan3A_85 step %scan3A_86  : i32 {
      %mul3A_139 = arith.constant 3 : i32
      %mul3A_140 = arith.muli %scan3A_138, %mul3A_139 : i32
      %add3A_141 = arith.constant 0 : i32
      %add3A_142 = arith.addi %add3A_141, %mul3A_140 : i32
      %dma_wait3A_143 = arith.constant 0 : i32
      %dma_wait3A_144 = arith.constant 0 : i32
      %dma_wait3A_145 = tpu.memref_slice %arg2[%dma_wait3A_143, %dma_wait3A_144] : memref<10240x128xf32, #tpu.memory_space<hbm>> -> memref<10240x128xf32, #tpu.memory_space<hbm>>
      tpu.wait_indirect_dma semaphore(%arg23 : memref<!tpu.dma_semaphore, #tpu.memory_space<semaphore_mem>>) src(%dma_wait3A_145 : memref<10240x128xf32, #tpu.memory_space<hbm>>) dst(%arg13 : memref<128x128xf32, #tpu.memory_space<vmem>>)
      %add3A_146 = arith.addi %mul3A_2, %add3A_142 : i32
      %add3A_147 = arith.constant 0 : i32
      %add3A_148 = arith.addi %add3A_146, %add3A_147 : i32
      %add3A_149 = arith.constant 3 : i32
      %add3A_150 = arith.addi %add3A_148, %add3A_149 : i32
      %dma_start3A_151 = arith.constant 0 : i32
      %dma_start3A_152 = tpu.memref_slice %arg3[%add3A_150, %dma_start3A_151] : memref<2592x128xi32, #tpu.memory_space<hbm>> -> memref<1x128xi32, #tpu.memory_space<hbm>>
      %dma_start3A_153 = tpu.memref_squeeze %dma_start3A_152 : memref<1x128xi32, #tpu.memory_space<hbm>> -> memref<128xi32, #tpu.memory_space<hbm>>
      %dma_start3A_154 = arith.constant 0 : i32
      %dma_start3A_155 = tpu.memref_slice %arg3[%add3A_150, %dma_start3A_154] : memref<2592x128xi32, #tpu.memory_space<hbm>> -> memref<1x128xi32, #tpu.memory_space<hbm>>
      %dma_start3A_156 = tpu.memref_squeeze %dma_start3A_155 : memref<1x128xi32, #tpu.memory_space<hbm>> -> memref<128xi32, #tpu.memory_space<hbm>>
      tpu.enqueue_dma source(%dma_start3A_156 : memref<128xi32, #tpu.memory_space<hbm>>) target(%arg7 : memref<128xi32, #tpu.memory_space<vmem>>) target_semaphore(%arg17 : memref<!tpu.dma_semaphore, #tpu.memory_space<semaphore_mem>>)
      %dma_wait3A_157 = arith.constant 0 : i32
      %dma_wait3A_158 = tpu.memref_slice %arg4[%mul3A_2, %dma_wait3A_157] : memref<2592x128xi32, #tpu.memory_space<hbm>> -> memref<1x128xi32, #tpu.memory_space<hbm>>
      %dma_wait3A_159 = tpu.memref_squeeze %dma_wait3A_158 : memref<1x128xi32, #tpu.memory_space<hbm>> -> memref<128xi32, #tpu.memory_space<hbm>>
      %dma_wait3A_160 = arith.constant 0 : i32
      %dma_wait3A_161 = tpu.memref_slice %arg4[%mul3A_2, %dma_wait3A_160] : memref<2592x128xi32, #tpu.memory_space<hbm>> -> memref<1x128xi32, #tpu.memory_space<hbm>>
      %dma_wait3A_162 = tpu.memref_squeeze %dma_wait3A_161 : memref<1x128xi32, #tpu.memory_space<hbm>> -> memref<128xi32, #tpu.memory_space<hbm>>
      tpu.wait_dma2 semaphore(%arg20 : memref<!tpu.dma_semaphore, #tpu.memory_space<semaphore_mem>>) src(%dma_wait3A_162 : memref<128xi32, #tpu.memory_space<hbm>>) dst(%arg10 : memref<128xi32, #tpu.memory_space<vmem>>)
      %dma_start3A_163 = arith.constant 0 : i32
      %dma_start3A_164 = arith.constant 0 : i32
      %dma_start3A_165 = tpu.memref_slice %arg16[%dma_start3A_163, %dma_start3A_164] : memref<10112x128xf32, #tpu.memory_space<vmem_shared>> -> memref<10112x128xf32, #tpu.memory_space<vmem_shared>>
      tpu.enqueue_indirect_dma source(%arg13 : memref<128x128xf32, #tpu.memory_space<vmem>>) target(%dma_start3A_165 : memref<10112x128xf32, #tpu.memory_space<vmem_shared>>) offsets(%arg10 : memref<128xi32, #tpu.memory_space<vmem>>) semaphore(%arg26 : memref<!tpu.dma_semaphore, #tpu.memory_space<semaphore_mem>>) {add = true}
      %dma_wait3A_166 = arith.constant 0 : i32
      %dma_wait3A_167 = arith.constant 0 : i32
      %dma_wait3A_168 = tpu.memref_slice %arg2[%dma_wait3A_166, %dma_wait3A_167] : memref<10240x128xf32, #tpu.memory_space<hbm>> -> memref<10240x128xf32, #tpu.memory_space<hbm>>
      tpu.wait_indirect_dma semaphore(%arg24 : memref<!tpu.dma_semaphore, #tpu.memory_space<semaphore_mem>>) src(%dma_wait3A_168 : memref<10240x128xf32, #tpu.memory_space<hbm>>) dst(%arg14 : memref<128x128xf32, #tpu.memory_space<vmem>>)
      %add3A_169 = arith.addi %mul3A_2, %add3A_142 : i32
      %add3A_170 = arith.constant 1 : i32
      %add3A_171 = arith.addi %add3A_169, %add3A_170 : i32
      %add3A_172 = arith.constant 3 : i32
      %add3A_173 = arith.addi %add3A_171, %add3A_172 : i32
      %dma_start3A_174 = arith.constant 0 : i32
      %dma_start3A_175 = tpu.memref_slice %arg3[%add3A_173, %dma_start3A_174] : memref<2592x128xi32, #tpu.memory_space<hbm>> -> memref<1x128xi32, #tpu.memory_space<hbm>>
      %dma_start3A_176 = tpu.memref_squeeze %dma_start3A_175 : memref<1x128xi32, #tpu.memory_space<hbm>> -> memref<128xi32, #tpu.memory_space<hbm>>
      %dma_start3A_177 = arith.constant 0 : i32
      %dma_start3A_178 = tpu.memref_slice %arg3[%add3A_173, %dma_start3A_177] : memref<2592x128xi32, #tpu.memory_space<hbm>> -> memref<1x128xi32, #tpu.memory_space<hbm>>
      %dma_start3A_179 = tpu.memref_squeeze %dma_start3A_178 : memref<1x128xi32, #tpu.memory_space<hbm>> -> memref<128xi32, #tpu.memory_space<hbm>>
      tpu.enqueue_dma source(%dma_start3A_179 : memref<128xi32, #tpu.memory_space<hbm>>) target(%arg8 : memref<128xi32, #tpu.memory_space<vmem>>) target_semaphore(%arg18 : memref<!tpu.dma_semaphore, #tpu.memory_space<semaphore_mem>>)
      %dma_wait3A_180 = arith.constant 0 : i32
      %dma_wait3A_181 = tpu.memref_slice %arg4[%mul3A_2, %dma_wait3A_180] : memref<2592x128xi32, #tpu.memory_space<hbm>> -> memref<1x128xi32, #tpu.memory_space<hbm>>
      %dma_wait3A_182 = tpu.memref_squeeze %dma_wait3A_181 : memref<1x128xi32, #tpu.memory_space<hbm>> -> memref<128xi32, #tpu.memory_space<hbm>>
      %dma_wait3A_183 = arith.constant 0 : i32
      %dma_wait3A_184 = tpu.memref_slice %arg4[%mul3A_2, %dma_wait3A_183] : memref<2592x128xi32, #tpu.memory_space<hbm>> -> memref<1x128xi32, #tpu.memory_space<hbm>>
      %dma_wait3A_185 = tpu.memref_squeeze %dma_wait3A_184 : memref<1x128xi32, #tpu.memory_space<hbm>> -> memref<128xi32, #tpu.memory_space<hbm>>
      tpu.wait_dma2 semaphore(%arg21 : memref<!tpu.dma_semaphore, #tpu.memory_space<semaphore_mem>>) src(%dma_wait3A_185 : memref<128xi32, #tpu.memory_space<hbm>>) dst(%arg11 : memref<128xi32, #tpu.memory_space<vmem>>)
      %dma_start3A_186 = arith.constant 0 : i32
      %dma_start3A_187 = arith.constant 0 : i32
      %dma_start3A_188 = tpu.memref_slice %arg16[%dma_start3A_186, %dma_start3A_187] : memref<10112x128xf32, #tpu.memory_space<vmem_shared>> -> memref<10112x128xf32, #tpu.memory_space<vmem_shared>>
      tpu.enqueue_indirect_dma source(%arg14 : memref<128x128xf32, #tpu.memory_space<vmem>>) target(%dma_start3A_188 : memref<10112x128xf32, #tpu.memory_space<vmem_shared>>) offsets(%arg11 : memref<128xi32, #tpu.memory_space<vmem>>) semaphore(%arg27 : memref<!tpu.dma_semaphore, #tpu.memory_space<semaphore_mem>>) {add = true}
      %dma_wait3A_189 = arith.constant 0 : i32
      %dma_wait3A_190 = arith.constant 0 : i32
      %dma_wait3A_191 = tpu.memref_slice %arg2[%dma_wait3A_189, %dma_wait3A_190] : memref<10240x128xf32, #tpu.memory_space<hbm>> -> memref<10240x128xf32, #tpu.memory_space<hbm>>
      tpu.wait_indirect_dma semaphore(%arg25 : memref<!tpu.dma_semaphore, #tpu.memory_space<semaphore_mem>>) src(%dma_wait3A_191 : memref<10240x128xf32, #tpu.memory_space<hbm>>) dst(%arg15 : memref<128x128xf32, #tpu.memory_space<vmem>>)
      %add3A_192 = arith.addi %mul3A_2, %add3A_142 : i32
      %add3A_193 = arith.constant 2 : i32
      %add3A_194 = arith.addi %add3A_192, %add3A_193 : i32
      %add3A_195 = arith.constant 3 : i32
      %add3A_196 = arith.addi %add3A_194, %add3A_195 : i32
      %dma_start3A_197 = arith.constant 0 : i32
      %dma_start3A_198 = tpu.memref_slice %arg3[%add3A_196, %dma_start3A_197] : memref<2592x128xi32, #tpu.memory_space<hbm>> -> memref<1x128xi32, #tpu.memory_space<hbm>>
      %dma_start3A_199 = tpu.memref_squeeze %dma_start3A_198 : memref<1x128xi32, #tpu.memory_space<hbm>> -> memref<128xi32, #tpu.memory_space<hbm>>
      %dma_start3A_200 = arith.constant 0 : i32
      %dma_start3A_201 = tpu.memref_slice %arg3[%add3A_196, %dma_start3A_200] : memref<2592x128xi32, #tpu.memory_space<hbm>> -> memref<1x128xi32, #tpu.memory_space<hbm>>
      %dma_start3A_202 = tpu.memref_squeeze %dma_start3A_201 : memref<1x128xi32, #tpu.memory_space<hbm>> -> memref<128xi32, #tpu.memory_space<hbm>>
      tpu.enqueue_dma source(%dma_start3A_202 : memref<128xi32, #tpu.memory_space<hbm>>) target(%arg9 : memref<128xi32, #tpu.memory_space<vmem>>) target_semaphore(%arg19 : memref<!tpu.dma_semaphore, #tpu.memory_space<semaphore_mem>>)
      %dma_wait3A_203 = arith.constant 0 : i32
      %dma_wait3A_204 = tpu.memref_slice %arg4[%mul3A_2, %dma_wait3A_203] : memref<2592x128xi32, #tpu.memory_space<hbm>> -> memref<1x128xi32, #tpu.memory_space<hbm>>
      %dma_wait3A_205 = tpu.memref_squeeze %dma_wait3A_204 : memref<1x128xi32, #tpu.memory_space<hbm>> -> memref<128xi32, #tpu.memory_space<hbm>>
      %dma_wait3A_206 = arith.constant 0 : i32
      %dma_wait3A_207 = tpu.memref_slice %arg4[%mul3A_2, %dma_wait3A_206] : memref<2592x128xi32, #tpu.memory_space<hbm>> -> memref<1x128xi32, #tpu.memory_space<hbm>>
      %dma_wait3A_208 = tpu.memref_squeeze %dma_wait3A_207 : memref<1x128xi32, #tpu.memory_space<hbm>> -> memref<128xi32, #tpu.memory_space<hbm>>
      tpu.wait_dma2 semaphore(%arg22 : memref<!tpu.dma_semaphore, #tpu.memory_space<semaphore_mem>>) src(%dma_wait3A_208 : memref<128xi32, #tpu.memory_space<hbm>>) dst(%arg12 : memref<128xi32, #tpu.memory_space<vmem>>)
      %dma_start3A_209 = arith.constant 0 : i32
      %dma_start3A_210 = arith.constant 0 : i32
      %dma_start3A_211 = tpu.memref_slice %arg16[%dma_start3A_209, %dma_start3A_210] : memref<10112x128xf32, #tpu.memory_space<vmem_shared>> -> memref<10112x128xf32, #tpu.memory_space<vmem_shared>>
      tpu.enqueue_indirect_dma source(%arg15 : memref<128x128xf32, #tpu.memory_space<vmem>>) target(%dma_start3A_211 : memref<10112x128xf32, #tpu.memory_space<vmem_shared>>) offsets(%arg12 : memref<128xi32, #tpu.memory_space<vmem>>) semaphore(%arg28 : memref<!tpu.dma_semaphore, #tpu.memory_space<semaphore_mem>>) {add = true}
      %dma_wait3A_212 = arith.constant 0 : i32
      %dma_wait3A_213 = arith.constant 0 : i32
      %dma_wait3A_214 = tpu.memref_slice %arg16[%dma_wait3A_212, %dma_wait3A_213] : memref<10112x128xf32, #tpu.memory_space<vmem_shared>> -> memref<10112x128xf32, #tpu.memory_space<vmem_shared>>
      tpu.wait_indirect_dma semaphore(%arg26 : memref<!tpu.dma_semaphore, #tpu.memory_space<semaphore_mem>>) src(%arg13 : memref<128x128xf32, #tpu.memory_space<vmem>>) dst(%dma_wait3A_214 : memref<10112x128xf32, #tpu.memory_space<vmem_shared>>)
      %add3A_215 = arith.addi %mul3A_2, %add3A_142 : i32
      %add3A_216 = arith.constant 0 : i32
      %add3A_217 = arith.addi %add3A_215, %add3A_216 : i32
      %add3A_218 = arith.constant 3 : i32
      %add3A_219 = arith.addi %add3A_217, %add3A_218 : i32
      %dma_start3A_220 = arith.constant 0 : i32
      %dma_start3A_221 = tpu.memref_slice %arg4[%add3A_219, %dma_start3A_220] : memref<2592x128xi32, #tpu.memory_space<hbm>> -> memref<1x128xi32, #tpu.memory_space<hbm>>
      %dma_start3A_222 = tpu.memref_squeeze %dma_start3A_221 : memref<1x128xi32, #tpu.memory_space<hbm>> -> memref<128xi32, #tpu.memory_space<hbm>>
      %dma_start3A_223 = arith.constant 0 : i32
      %dma_start3A_224 = tpu.memref_slice %arg4[%add3A_219, %dma_start3A_223] : memref<2592x128xi32, #tpu.memory_space<hbm>> -> memref<1x128xi32, #tpu.memory_space<hbm>>
      %dma_start3A_225 = tpu.memref_squeeze %dma_start3A_224 : memref<1x128xi32, #tpu.memory_space<hbm>> -> memref<128xi32, #tpu.memory_space<hbm>>
      tpu.enqueue_dma source(%dma_start3A_225 : memref<128xi32, #tpu.memory_space<hbm>>) target(%arg10 : memref<128xi32, #tpu.memory_space<vmem>>) target_semaphore(%arg20 : memref<!tpu.dma_semaphore, #tpu.memory_space<semaphore_mem>>)
      %dma_wait3A_226 = arith.constant 0 : i32
      %dma_wait3A_227 = tpu.memref_slice %arg3[%mul3A_2, %dma_wait3A_226] : memref<2592x128xi32, #tpu.memory_space<hbm>> -> memref<1x128xi32, #tpu.memory_space<hbm>>
      %dma_wait3A_228 = tpu.memref_squeeze %dma_wait3A_227 : memref<1x128xi32, #tpu.memory_space<hbm>> -> memref<128xi32, #tpu.memory_space<hbm>>
      %dma_wait3A_229 = arith.constant 0 : i32
      %dma_wait3A_230 = tpu.memref_slice %arg3[%mul3A_2, %dma_wait3A_229] : memref<2592x128xi32, #tpu.memory_space<hbm>> -> memref<1x128xi32, #tpu.memory_space<hbm>>
      %dma_wait3A_231 = tpu.memref_squeeze %dma_wait3A_230 : memref<1x128xi32, #tpu.memory_space<hbm>> -> memref<128xi32, #tpu.memory_space<hbm>>
      tpu.wait_dma2 semaphore(%arg17 : memref<!tpu.dma_semaphore, #tpu.memory_space<semaphore_mem>>) src(%dma_wait3A_231 : memref<128xi32, #tpu.memory_space<hbm>>) dst(%arg7 : memref<128xi32, #tpu.memory_space<vmem>>)
      %dma_start3A_232 = arith.constant 0 : i32
      %dma_start3A_233 = arith.constant 0 : i32
      %dma_start3A_234 = tpu.memref_slice %arg2[%dma_start3A_232, %dma_start3A_233] : memref<10240x128xf32, #tpu.memory_space<hbm>> -> memref<10240x128xf32, #tpu.memory_space<hbm>>
      tpu.enqueue_indirect_dma source(%dma_start3A_234 : memref<10240x128xf32, #tpu.memory_space<hbm>>) target(%arg13 : memref<128x128xf32, #tpu.memory_space<vmem>>) offsets(%arg7 : memref<128xi32, #tpu.memory_space<vmem>>) semaphore(%arg23 : memref<!tpu.dma_semaphore, #tpu.memory_space<semaphore_mem>>)
      %dma_wait3A_235 = arith.constant 0 : i32
      %dma_wait3A_236 = arith.constant 0 : i32
      %dma_wait3A_237 = tpu.memref_slice %arg16[%dma_wait3A_235, %dma_wait3A_236] : memref<10112x128xf32, #tpu.memory_space<vmem_shared>> -> memref<10112x128xf32, #tpu.memory_space<vmem_shared>>
      tpu.wait_indirect_dma semaphore(%arg27 : memref<!tpu.dma_semaphore, #tpu.memory_space<semaphore_mem>>) src(%arg14 : memref<128x128xf32, #tpu.memory_space<vmem>>) dst(%dma_wait3A_237 : memref<10112x128xf32, #tpu.memory_space<vmem_shared>>)
      %add3A_238 = arith.addi %mul3A_2, %add3A_142 : i32
      %add3A_239 = arith.constant 1 : i32
      %add3A_240 = arith.addi %add3A_238, %add3A_239 : i32
      %add3A_241 = arith.constant 3 : i32
      %add3A_242 = arith.addi %add3A_240, %add3A_241 : i32
      %dma_start3A_243 = arith.constant 0 : i32
      %dma_start3A_244 = tpu.memref_slice %arg4[%add3A_242, %dma_start3A_243] : memref<2592x128xi32, #tpu.memory_space<hbm>> -> memref<1x128xi32, #tpu.memory_space<hbm>>
      %dma_start3A_245 = tpu.memref_squeeze %dma_start3A_244 : memref<1x128xi32, #tpu.memory_space<hbm>> -> memref<128xi32, #tpu.memory_space<hbm>>
      %dma_start3A_246 = arith.constant 0 : i32
      %dma_start3A_247 = tpu.memref_slice %arg4[%add3A_242, %dma_start3A_246] : memref<2592x128xi32, #tpu.memory_space<hbm>> -> memref<1x128xi32, #tpu.memory_space<hbm>>
      %dma_start3A_248 = tpu.memref_squeeze %dma_start3A_247 : memref<1x128xi32, #tpu.memory_space<hbm>> -> memref<128xi32, #tpu.memory_space<hbm>>
      tpu.enqueue_dma source(%dma_start3A_248 : memref<128xi32, #tpu.memory_space<hbm>>) target(%arg11 : memref<128xi32, #tpu.memory_space<vmem>>) target_semaphore(%arg21 : memref<!tpu.dma_semaphore, #tpu.memory_space<semaphore_mem>>)
      %dma_wait3A_249 = arith.constant 0 : i32
      %dma_wait3A_250 = tpu.memref_slice %arg3[%mul3A_2, %dma_wait3A_249] : memref<2592x128xi32, #tpu.memory_space<hbm>> -> memref<1x128xi32, #tpu.memory_space<hbm>>
      %dma_wait3A_251 = tpu.memref_squeeze %dma_wait3A_250 : memref<1x128xi32, #tpu.memory_space<hbm>> -> memref<128xi32, #tpu.memory_space<hbm>>
      %dma_wait3A_252 = arith.constant 0 : i32
      %dma_wait3A_253 = tpu.memref_slice %arg3[%mul3A_2, %dma_wait3A_252] : memref<2592x128xi32, #tpu.memory_space<hbm>> -> memref<1x128xi32, #tpu.memory_space<hbm>>
      %dma_wait3A_254 = tpu.memref_squeeze %dma_wait3A_253 : memref<1x128xi32, #tpu.memory_space<hbm>> -> memref<128xi32, #tpu.memory_space<hbm>>
      tpu.wait_dma2 semaphore(%arg18 : memref<!tpu.dma_semaphore, #tpu.memory_space<semaphore_mem>>) src(%dma_wait3A_254 : memref<128xi32, #tpu.memory_space<hbm>>) dst(%arg8 : memref<128xi32, #tpu.memory_space<vmem>>)
      %dma_start3A_255 = arith.constant 0 : i32
      %dma_start3A_256 = arith.constant 0 : i32
      %dma_start3A_257 = tpu.memref_slice %arg2[%dma_start3A_255, %dma_start3A_256] : memref<10240x128xf32, #tpu.memory_space<hbm>> -> memref<10240x128xf32, #tpu.memory_space<hbm>>
      tpu.enqueue_indirect_dma source(%dma_start3A_257 : memref<10240x128xf32, #tpu.memory_space<hbm>>) target(%arg14 : memref<128x128xf32, #tpu.memory_space<vmem>>) offsets(%arg8 : memref<128xi32, #tpu.memory_space<vmem>>) semaphore(%arg24 : memref<!tpu.dma_semaphore, #tpu.memory_space<semaphore_mem>>)
      %dma_wait3A_258 = arith.constant 0 : i32
      %dma_wait3A_259 = arith.constant 0 : i32
      %dma_wait3A_260 = tpu.memref_slice %arg16[%dma_wait3A_258, %dma_wait3A_259] : memref<10112x128xf32, #tpu.memory_space<vmem_shared>> -> memref<10112x128xf32, #tpu.memory_space<vmem_shared>>
      tpu.wait_indirect_dma semaphore(%arg28 : memref<!tpu.dma_semaphore, #tpu.memory_space<semaphore_mem>>) src(%arg15 : memref<128x128xf32, #tpu.memory_space<vmem>>) dst(%dma_wait3A_260 : memref<10112x128xf32, #tpu.memory_space<vmem_shared>>)
      %add3A_261 = arith.addi %mul3A_2, %add3A_142 : i32
      %add3A_262 = arith.constant 2 : i32
      %add3A_263 = arith.addi %add3A_261, %add3A_262 : i32
      %add3A_264 = arith.constant 3 : i32
      %add3A_265 = arith.addi %add3A_263, %add3A_264 : i32
      %dma_start3A_266 = arith.constant 0 : i32
      %dma_start3A_267 = tpu.memref_slice %arg4[%add3A_265, %dma_start3A_266] : memref<2592x128xi32, #tpu.memory_space<hbm>> -> memref<1x128xi32, #tpu.memory_space<hbm>>
      %dma_start3A_268 = tpu.memref_squeeze %dma_start3A_267 : memref<1x128xi32, #tpu.memory_space<hbm>> -> memref<128xi32, #tpu.memory_space<hbm>>
      %dma_start3A_269 = arith.constant 0 : i32
      %dma_start3A_270 = tpu.memref_slice %arg4[%add3A_265, %dma_start3A_269] : memref<2592x128xi32, #tpu.memory_space<hbm>> -> memref<1x128xi32, #tpu.memory_space<hbm>>
      %dma_start3A_271 = tpu.memref_squeeze %dma_start3A_270 : memref<1x128xi32, #tpu.memory_space<hbm>> -> memref<128xi32, #tpu.memory_space<hbm>>
      tpu.enqueue_dma source(%dma_start3A_271 : memref<128xi32, #tpu.memory_space<hbm>>) target(%arg12 : memref<128xi32, #tpu.memory_space<vmem>>) target_semaphore(%arg22 : memref<!tpu.dma_semaphore, #tpu.memory_space<semaphore_mem>>)
      %dma_wait3A_272 = arith.constant 0 : i32
      %dma_wait3A_273 = tpu.memref_slice %arg3[%mul3A_2, %dma_wait3A_272] : memref<2592x128xi32, #tpu.memory_space<hbm>> -> memref<1x128xi32, #tpu.memory_space<hbm>>
      %dma_wait3A_274 = tpu.memref_squeeze %dma_wait3A_273 : memref<1x128xi32, #tpu.memory_space<hbm>> -> memref<128xi32, #tpu.memory_space<hbm>>
      %dma_wait3A_275 = arith.constant 0 : i32
      %dma_wait3A_276 = tpu.memref_slice %arg3[%mul3A_2, %dma_wait3A_275] : memref<2592x128xi32, #tpu.memory_space<hbm>> -> memref<1x128xi32, #tpu.memory_space<hbm>>
      %dma_wait3A_277 = tpu.memref_squeeze %dma_wait3A_276 : memref<1x128xi32, #tpu.memory_space<hbm>> -> memref<128xi32, #tpu.memory_space<hbm>>
      tpu.wait_dma2 semaphore(%arg19 : memref<!tpu.dma_semaphore, #tpu.memory_space<semaphore_mem>>) src(%dma_wait3A_277 : memref<128xi32, #tpu.memory_space<hbm>>) dst(%arg9 : memref<128xi32, #tpu.memory_space<vmem>>)
      %dma_start3A_278 = arith.constant 0 : i32
      %dma_start3A_279 = arith.constant 0 : i32
      %dma_start3A_280 = tpu.memref_slice %arg2[%dma_start3A_278, %dma_start3A_279] : memref<10240x128xf32, #tpu.memory_space<hbm>> -> memref<10240x128xf32, #tpu.memory_space<hbm>>
      tpu.enqueue_indirect_dma source(%dma_start3A_280 : memref<10240x128xf32, #tpu.memory_space<hbm>>) target(%arg15 : memref<128x128xf32, #tpu.memory_space<vmem>>) offsets(%arg9 : memref<128xi32, #tpu.memory_space<vmem>>) semaphore(%arg25 : memref<!tpu.dma_semaphore, #tpu.memory_space<semaphore_mem>>)
    }
    %scan3A_87 = arith.constant 26 : i32
    %dma_wait3A_88 = arith.constant 0 : i32
    %dma_wait3A_89 = arith.constant 0 : i32
    %dma_wait3A_90 = tpu.memref_slice %arg2[%dma_wait3A_88, %dma_wait3A_89] : memref<10240x128xf32, #tpu.memory_space<hbm>> -> memref<10240x128xf32, #tpu.memory_space<hbm>>
    tpu.wait_indirect_dma semaphore(%arg23 : memref<!tpu.dma_semaphore, #tpu.memory_space<semaphore_mem>>) src(%dma_wait3A_90 : memref<10240x128xf32, #tpu.memory_space<hbm>>) dst(%arg13 : memref<128x128xf32, #tpu.memory_space<vmem>>)
    %dma_wait3A_91 = arith.constant 0 : i32
    %dma_wait3A_92 = tpu.memref_slice %arg4[%mul3A_2, %dma_wait3A_91] : memref<2592x128xi32, #tpu.memory_space<hbm>> -> memref<1x128xi32, #tpu.memory_space<hbm>>
    %dma_wait3A_93 = tpu.memref_squeeze %dma_wait3A_92 : memref<1x128xi32, #tpu.memory_space<hbm>> -> memref<128xi32, #tpu.memory_space<hbm>>
    %dma_wait3A_94 = arith.constant 0 : i32
    %dma_wait3A_95 = tpu.memref_slice %arg4[%mul3A_2, %dma_wait3A_94] : memref<2592x128xi32, #tpu.memory_space<hbm>> -> memref<1x128xi32, #tpu.memory_space<hbm>>
    %dma_wait3A_96 = tpu.memref_squeeze %dma_wait3A_95 : memref<1x128xi32, #tpu.memory_space<hbm>> -> memref<128xi32, #tpu.memory_space<hbm>>
    tpu.wait_dma2 semaphore(%arg20 : memref<!tpu.dma_semaphore, #tpu.memory_space<semaphore_mem>>) src(%dma_wait3A_96 : memref<128xi32, #tpu.memory_space<hbm>>) dst(%arg10 : memref<128xi32, #tpu.memory_space<vmem>>)
    %dma_start3A_97 = arith.constant 0 : i32
    %dma_start3A_98 = arith.constant 0 : i32
    %dma_start3A_99 = tpu.memref_slice %arg16[%dma_start3A_97, %dma_start3A_98] : memref<10112x128xf32, #tpu.memory_space<vmem_shared>> -> memref<10112x128xf32, #tpu.memory_space<vmem_shared>>
    tpu.enqueue_indirect_dma source(%arg13 : memref<128x128xf32, #tpu.memory_space<vmem>>) target(%dma_start3A_99 : memref<10112x128xf32, #tpu.memory_space<vmem_shared>>) offsets(%arg10 : memref<128xi32, #tpu.memory_space<vmem>>) semaphore(%arg26 : memref<!tpu.dma_semaphore, #tpu.memory_space<semaphore_mem>>) {add = true}
    %dma_wait3A_100 = arith.constant 0 : i32
    %dma_wait3A_101 = arith.constant 0 : i32
    %dma_wait3A_102 = tpu.memref_slice %arg2[%dma_wait3A_100, %dma_wait3A_101] : memref<10240x128xf32, #tpu.memory_space<hbm>> -> memref<10240x128xf32, #tpu.memory_space<hbm>>
    tpu.wait_indirect_dma semaphore(%arg24 : memref<!tpu.dma_semaphore, #tpu.memory_space<semaphore_mem>>) src(%dma_wait3A_102 : memref<10240x128xf32, #tpu.memory_space<hbm>>) dst(%arg14 : memref<128x128xf32, #tpu.memory_space<vmem>>)
    %dma_wait3A_103 = arith.constant 0 : i32
    %dma_wait3A_104 = tpu.memref_slice %arg4[%mul3A_2, %dma_wait3A_103] : memref<2592x128xi32, #tpu.memory_space<hbm>> -> memref<1x128xi32, #tpu.memory_space<hbm>>
    %dma_wait3A_105 = tpu.memref_squeeze %dma_wait3A_104 : memref<1x128xi32, #tpu.memory_space<hbm>> -> memref<128xi32, #tpu.memory_space<hbm>>
    %dma_wait3A_106 = arith.constant 0 : i32
    %dma_wait3A_107 = tpu.memref_slice %arg4[%mul3A_2, %dma_wait3A_106] : memref<2592x128xi32, #tpu.memory_space<hbm>> -> memref<1x128xi32, #tpu.memory_space<hbm>>
    %dma_wait3A_108 = tpu.memref_squeeze %dma_wait3A_107 : memref<1x128xi32, #tpu.memory_space<hbm>> -> memref<128xi32, #tpu.memory_space<hbm>>
    tpu.wait_dma2 semaphore(%arg21 : memref<!tpu.dma_semaphore, #tpu.memory_space<semaphore_mem>>) src(%dma_wait3A_108 : memref<128xi32, #tpu.memory_space<hbm>>) dst(%arg11 : memref<128xi32, #tpu.memory_space<vmem>>)
    %dma_start3A_109 = arith.constant 0 : i32
    %dma_start3A_110 = arith.constant 0 : i32
    %dma_start3A_111 = tpu.memref_slice %arg16[%dma_start3A_109, %dma_start3A_110] : memref<10112x128xf32, #tpu.memory_space<vmem_shared>> -> memref<10112x128xf32, #tpu.memory_space<vmem_shared>>
    tpu.enqueue_indirect_dma source(%arg14 : memref<128x128xf32, #tpu.memory_space<vmem>>) target(%dma_start3A_111 : memref<10112x128xf32, #tpu.memory_space<vmem_shared>>) offsets(%arg11 : memref<128xi32, #tpu.memory_space<vmem>>) semaphore(%arg27 : memref<!tpu.dma_semaphore, #tpu.memory_space<semaphore_mem>>) {add = true}
    %dma_wait3A_112 = arith.constant 0 : i32
    %dma_wait3A_113 = arith.constant 0 : i32
    %dma_wait3A_114 = tpu.memref_slice %arg2[%dma_wait3A_112, %dma_wait3A_113] : memref<10240x128xf32, #tpu.memory_space<hbm>> -> memref<10240x128xf32, #tpu.memory_space<hbm>>
    tpu.wait_indirect_dma semaphore(%arg25 : memref<!tpu.dma_semaphore, #tpu.memory_space<semaphore_mem>>) src(%dma_wait3A_114 : memref<10240x128xf32, #tpu.memory_space<hbm>>) dst(%arg15 : memref<128x128xf32, #tpu.memory_space<vmem>>)
    %dma_wait3A_115 = arith.constant 0 : i32
    %dma_wait3A_116 = tpu.memref_slice %arg4[%mul3A_2, %dma_wait3A_115] : memref<2592x128xi32, #tpu.memory_space<hbm>> -> memref<1x128xi32, #tpu.memory_space<hbm>>
    %dma_wait3A_117 = tpu.memref_squeeze %dma_wait3A_116 : memref<1x128xi32, #tpu.memory_space<hbm>> -> memref<128xi32, #tpu.memory_space<hbm>>
    %dma_wait3A_118 = arith.constant 0 : i32
    %dma_wait3A_119 = tpu.memref_slice %arg4[%mul3A_2, %dma_wait3A_118] : memref<2592x128xi32, #tpu.memory_space<hbm>> -> memref<1x128xi32, #tpu.memory_space<hbm>>
    %dma_wait3A_120 = tpu.memref_squeeze %dma_wait3A_119 : memref<1x128xi32, #tpu.memory_space<hbm>> -> memref<128xi32, #tpu.memory_space<hbm>>
    tpu.wait_dma2 semaphore(%arg22 : memref<!tpu.dma_semaphore, #tpu.memory_space<semaphore_mem>>) src(%dma_wait3A_120 : memref<128xi32, #tpu.memory_space<hbm>>) dst(%arg12 : memref<128xi32, #tpu.memory_space<vmem>>)
    %dma_start3A_121 = arith.constant 0 : i32
    %dma_start3A_122 = arith.constant 0 : i32
    %dma_start3A_123 = tpu.memref_slice %arg16[%dma_start3A_121, %dma_start3A_122] : memref<10112x128xf32, #tpu.memory_space<vmem_shared>> -> memref<10112x128xf32, #tpu.memory_space<vmem_shared>>
    tpu.enqueue_indirect_dma source(%arg15 : memref<128x128xf32, #tpu.memory_space<vmem>>) target(%dma_start3A_123 : memref<10112x128xf32, #tpu.memory_space<vmem_shared>>) offsets(%arg12 : memref<128xi32, #tpu.memory_space<vmem>>) semaphore(%arg28 : memref<!tpu.dma_semaphore, #tpu.memory_space<semaphore_mem>>) {add = true}
    %dma_wait3A_124 = arith.constant 0 : i32
    %dma_wait3A_125 = arith.constant 0 : i32
    %dma_wait3A_126 = tpu.memref_slice %arg16[%dma_wait3A_124, %dma_wait3A_125] : memref<10112x128xf32, #tpu.memory_space<vmem_shared>> -> memref<10112x128xf32, #tpu.memory_space<vmem_shared>>
    tpu.wait_indirect_dma semaphore(%arg26 : memref<!tpu.dma_semaphore, #tpu.memory_space<semaphore_mem>>) src(%arg13 : memref<128x128xf32, #tpu.memory_space<vmem>>) dst(%dma_wait3A_126 : memref<10112x128xf32, #tpu.memory_space<vmem_shared>>)
    %dma_wait3A_127 = arith.constant 0 : i32
    %dma_wait3A_128 = arith.constant 0 : i32
    %dma_wait3A_129 = tpu.memref_slice %arg16[%dma_wait3A_127, %dma_wait3A_128] : memref<10112x128xf32, #tpu.memory_space<vmem_shared>> -> memref<10112x128xf32, #tpu.memory_space<vmem_shared>>
    tpu.wait_indirect_dma semaphore(%arg27 : memref<!tpu.dma_semaphore, #tpu.memory_space<semaphore_mem>>) src(%arg14 : memref<128x128xf32, #tpu.memory_space<vmem>>) dst(%dma_wait3A_129 : memref<10112x128xf32, #tpu.memory_space<vmem_shared>>)
    %dma_wait3A_130 = arith.constant 0 : i32
    %dma_wait3A_131 = arith.constant 0 : i32
    %dma_wait3A_132 = tpu.memref_slice %arg16[%dma_wait3A_130, %dma_wait3A_131] : memref<10112x128xf32, #tpu.memory_space<vmem_shared>> -> memref<10112x128xf32, #tpu.memory_space<vmem_shared>>
    tpu.wait_indirect_dma semaphore(%arg28 : memref<!tpu.dma_semaphore, #tpu.memory_space<semaphore_mem>>) src(%arg15 : memref<128x128xf32, #tpu.memory_space<vmem>>) dst(%dma_wait3A_132 : memref<10112x128xf32, #tpu.memory_space<vmem_shared>>)
    %barrier3A_133 = arith.constant 0 : index
    tpu.barrier barrier_id(%barrier3A_133)
    %mul3A_134 = arith.constant 632 : i32
    %mul3A_135 = arith.muli %arg1, %mul3A_134 : i32
    %mul3A_136 = arith.constant 632 : i32
    %mul3A_137 = arith.muli %arg1, %mul3A_136 : i32
    "tpu.region"() ({
      %run_scoped3A = tpu.sem_alloc : memref<!tpu.dma_semaphore, #tpu.memory_space<semaphore_mem>>
      %dma_start3A_138 = arith.constant 0 : i32
      %dma_start3A_139 = tpu.memref_slice %arg6[%arg0, %mul3A_137, %dma_start3A_138] : memref<2x10240x128xf32, #tpu.memory_space<hbm>> -> memref<1x632x128xf32, #tpu.memory_space<hbm>>
      %dma_start3A_140 = tpu.memref_squeeze %dma_start3A_139 : memref<1x632x128xf32, #tpu.memory_space<hbm>> -> memref<632x128xf32, #tpu.memory_space<hbm>>
      %dma_start3A_141 = arith.constant 0 : i32
      %dma_start3A_142 = tpu.memref_slice %arg16[%mul3A_135, %dma_start3A_141] : memref<10112x128xf32, #tpu.memory_space<vmem_shared>> -> memref<632x128xf32, #tpu.memory_space<vmem_shared>>
      tpu.enqueue_dma source(%dma_start3A_142 : memref<632x128xf32, #tpu.memory_space<vmem_shared>>) target(%dma_start3A_140 : memref<632x128xf32, #tpu.memory_space<hbm>>) target_semaphore(%run_scoped3A : memref<!tpu.dma_semaphore, #tpu.memory_space<semaphore_mem>>)
      %dma_wait3A_143 = arith.constant 0 : i32
      %dma_wait3A_144 = tpu.memref_slice %arg6[%arg0, %mul3A_137, %dma_wait3A_143] : memref<2x10240x128xf32, #tpu.memory_space<hbm>> -> memref<1x632x128xf32, #tpu.memory_space<hbm>>
      %dma_wait3A_145 = tpu.memref_squeeze %dma_wait3A_144 : memref<1x632x128xf32, #tpu.memory_space<hbm>> -> memref<632x128xf32, #tpu.memory_space<hbm>>
      %dma_wait3A_146 = arith.constant 0 : i32
      %dma_wait3A_147 = tpu.memref_slice %arg16[%mul3A_135, %dma_wait3A_146] : memref<10112x128xf32, #tpu.memory_space<vmem_shared>> -> memref<632x128xf32, #tpu.memory_space<vmem_shared>>
      tpu.wait_dma2 semaphore(%run_scoped3A : memref<!tpu.dma_semaphore, #tpu.memory_space<semaphore_mem>>) src(%dma_wait3A_147 : memref<632x128xf32, #tpu.memory_space<vmem_shared>>) dst(%dma_wait3A_145 : memref<632x128xf32, #tpu.memory_space<hbm>>)
      tpu.yield
    }) : () -> ()
    return
  }
}

#map = affine_map<(d0, d1) -> (0)>
#map1 = affine_map<(d0, d1) -> (0, 0)>
module attributes {stable_mosaic.version = 14 : i64} {
  func.func @_deg_body(%arg0: i32, %arg1: i32, %arg2: memref<331776xi32, #tpu.memory_space<hbm>>, %arg3: memref<10240xf32, #tpu.memory_space<hbm>>, %arg4: memref<32x10240xf32, #tpu.memory_space<hbm>>, %arg5: memref<10368xi32, #tpu.memory_space<vmem>>, %arg6: memref<10240xf32, #tpu.memory_space<vmem>>, %arg7: memref<!tpu.dma_semaphore, #tpu.memory_space<semaphore_mem>>) attributes {dimension_semantics = [#tpu.dimension_semantics<core_parallel>, #tpu.dimension_semantics<subcore_parallel>], iteration_bounds = array<i64: 2, 16>, scalar_prefetch = 0 : i64, scratch_operands = 3 : i64, tpu.core_type = #tpu.core_type<sc_vector_subcore>, window_params = [{transform_indices = #map}, {transform_indices = #map}, {transform_indices = #map1}]} {
    %mul3A = arith.constant 16 : i32
    %mul3A_0 = arith.muli %arg0, %mul3A : i32
    %add3A = arith.addi %mul3A_0, %arg1 : i32
    %mul3A_1 = arith.constant 10368 : i32
    %mul3A_2 = arith.muli %add3A, %mul3A_1 : i32
    %dma_start3A = tpu.memref_slice %arg2[%mul3A_2] : memref<331776xi32, #tpu.memory_space<hbm>> -> memref<10368xi32, #tpu.memory_space<hbm>>
    %dma_start3A_3 = tpu.memref_slice %arg2[%mul3A_2] : memref<331776xi32, #tpu.memory_space<hbm>> -> memref<10368xi32, #tpu.memory_space<hbm>>
    tpu.enqueue_dma source(%dma_start3A_3 : memref<10368xi32, #tpu.memory_space<hbm>>) target(%arg5 : memref<10368xi32, #tpu.memory_space<vmem>>) target_semaphore(%arg7 : memref<!tpu.dma_semaphore, #tpu.memory_space<semaphore_mem>>)
    %dma_wait3A = tpu.memref_slice %arg2[%mul3A_2] : memref<331776xi32, #tpu.memory_space<hbm>> -> memref<10368xi32, #tpu.memory_space<hbm>>
    %dma_wait3A_4 = tpu.memref_slice %arg2[%mul3A_2] : memref<331776xi32, #tpu.memory_space<hbm>> -> memref<10368xi32, #tpu.memory_space<hbm>>
    tpu.wait_dma2 semaphore(%arg7 : memref<!tpu.dma_semaphore, #tpu.memory_space<semaphore_mem>>) src(%dma_wait3A_4 : memref<10368xi32, #tpu.memory_space<hbm>>) dst(%arg5 : memref<10368xi32, #tpu.memory_space<vmem>>)
    "tpu.region"() ({
      %run_scoped3A = tpu.sem_alloc : memref<!tpu.dma_semaphore, #tpu.memory_space<semaphore_mem>>
      tpu.enqueue_dma source(%arg3 : memref<10240xf32, #tpu.memory_space<hbm>>) target(%arg6 : memref<10240xf32, #tpu.memory_space<vmem>>) target_semaphore(%run_scoped3A : memref<!tpu.dma_semaphore, #tpu.memory_space<semaphore_mem>>)
      tpu.wait_dma2 semaphore(%run_scoped3A : memref<!tpu.dma_semaphore, #tpu.memory_space<semaphore_mem>>) src(%arg3 : memref<10240xf32, #tpu.memory_space<hbm>>) dst(%arg6 : memref<10240xf32, #tpu.memory_space<vmem>>)
      tpu.yield
    }) : () -> ()
    %broadcast_in_dim3A = arith.constant 1.000000e+00 : f32
    %broadcast_in_dim3A_5 = vector.broadcast %broadcast_in_dim3A : f32 to vector<16xf32>
    %scan3A = arith.constant 0 : i32
    %scan3A_6 = arith.constant 162 : i32
    %scan3A_7 = arith.addi %scan3A, %scan3A_6 : i32
    %scan3A_8 = arith.constant 1 : i32
    scf.for %scan3A_10 = %scan3A to %scan3A_7 step %scan3A_8  : i32 {
      %mul3A_11 = arith.constant 64 : i32
      %mul3A_12 = arith.muli %scan3A_10, %mul3A_11 : i32
      %add3A_13 = arith.constant 0 : i32
      %add3A_14 = arith.addi %add3A_13, %mul3A_12 : i32
      %add3A_15 = arith.constant 0 : i32
      %add3A_16 = arith.addi %add3A_14, %add3A_15 : i32
      %get3A = arith.index_cast %add3A_16 : i32 to index
      %get3A_17 = tpu.vector_load %arg5[%get3A] {strides = array<i32>} : memref<10368xi32, #tpu.memory_space<vmem>>, vector<16xi32>,
      tpu.vector_store_idx %arg6[%get3A_17], %broadcast_in_dim3A_5 {add = true} : memref<10240xf32, #tpu.memory_space<vmem>>[vector<16xi32>], vector<16xf32>,
      %add3A_18 = arith.constant 16 : i32
      %add3A_19 = arith.addi %add3A_14, %add3A_18 : i32
      %get3A_20 = arith.index_cast %add3A_19 : i32 to index
      %get3A_21 = tpu.vector_load %arg5[%get3A_20] {strides = array<i32>} : memref<10368xi32, #tpu.memory_space<vmem>>, vector<16xi32>,
      tpu.vector_store_idx %arg6[%get3A_21], %broadcast_in_dim3A_5 {add = true} : memref<10240xf32, #tpu.memory_space<vmem>>[vector<16xi32>], vector<16xf32>,
      %add3A_22 = arith.constant 32 : i32
      %add3A_23 = arith.addi %add3A_14, %add3A_22 : i32
      %get3A_24 = arith.index_cast %add3A_23 : i32 to index
      %get3A_25 = tpu.vector_load %arg5[%get3A_24] {strides = array<i32>} : memref<10368xi32, #tpu.memory_space<vmem>>, vector<16xi32>,
      tpu.vector_store_idx %arg6[%get3A_25], %broadcast_in_dim3A_5 {add = true} : memref<10240xf32, #tpu.memory_space<vmem>>[vector<16xi32>], vector<16xf32>,
      %add3A_26 = arith.constant 48 : i32
      %add3A_27 = arith.addi %add3A_14, %add3A_26 : i32
      %get3A_28 = arith.index_cast %add3A_27 : i32 to index
      %get3A_29 = tpu.vector_load %arg5[%get3A_28] {strides = array<i32>} : memref<10368xi32, #tpu.memory_space<vmem>>, vector<16xi32>,
      tpu.vector_store_idx %arg6[%get3A_29], %broadcast_in_dim3A_5 {add = true} : memref<10240xf32, #tpu.memory_space<vmem>>[vector<16xi32>], vector<16xf32>,
    }
    %scan3A_9 = arith.constant 162 : i32
    "tpu.region"() ({
      %run_scoped3A = tpu.sem_alloc : memref<!tpu.dma_semaphore, #tpu.memory_space<semaphore_mem>>
      %dma_start3A_10 = arith.constant 0 : i32
      %dma_start3A_11 = tpu.memref_slice %arg4[%add3A, %dma_start3A_10] : memref<32x10240xf32, #tpu.memory_space<hbm>> -> memref<1x10240xf32, #tpu.memory_space<hbm>>
      %dma_start3A_12 = tpu.memref_squeeze %dma_start3A_11 : memref<1x10240xf32, #tpu.memory_space<hbm>> -> memref<10240xf32, #tpu.memory_space<hbm>>
      %dma_start3A_13 = arith.constant 0 : i32
      %dma_start3A_14 = tpu.memref_slice %arg4[%add3A, %dma_start3A_13] : memref<32x10240xf32, #tpu.memory_space<hbm>> -> memref<1x10240xf32, #tpu.memory_space<hbm>>
      %dma_start3A_15 = tpu.memref_squeeze %dma_start3A_14 : memref<1x10240xf32, #tpu.memory_space<hbm>> -> memref<10240xf32, #tpu.memory_space<hbm>>
      tpu.enqueue_dma source(%arg6 : memref<10240xf32, #tpu.memory_space<vmem>>) target(%dma_start3A_15 : memref<10240xf32, #tpu.memory_space<hbm>>) target_semaphore(%run_scoped3A : memref<!tpu.dma_semaphore, #tpu.memory_space<semaphore_mem>>)
      %dma_wait3A_16 = arith.constant 0 : i32
      %dma_wait3A_17 = tpu.memref_slice %arg4[%add3A, %dma_wait3A_16] : memref<32x10240xf32, #tpu.memory_space<hbm>> -> memref<1x10240xf32, #tpu.memory_space<hbm>>
      %dma_wait3A_18 = tpu.memref_squeeze %dma_wait3A_17 : memref<1x10240xf32, #tpu.memory_space<hbm>> -> memref<10240xf32, #tpu.memory_space<hbm>>
      %dma_wait3A_19 = arith.constant 0 : i32
      %dma_wait3A_20 = tpu.memref_slice %arg4[%add3A, %dma_wait3A_19] : memref<32x10240xf32, #tpu.memory_space<hbm>> -> memref<1x10240xf32, #tpu.memory_space<hbm>>
      %dma_wait3A_21 = tpu.memref_squeeze %dma_wait3A_20 : memref<1x10240xf32, #tpu.memory_space<hbm>> -> memref<10240xf32, #tpu.memory_space<hbm>>
      tpu.wait_dma2 semaphore(%run_scoped3A : memref<!tpu.dma_semaphore, #tpu.memory_space<semaphore_mem>>) src(%arg6 : memref<10240xf32, #tpu.memory_space<vmem>>) dst(%dma_wait3A_21 : memref<10240xf32, #tpu.memory_space<hbm>>)
      tpu.yield
    }) : () -> ()
    return
  }
}

#map = affine_map<(d0, d1) -> (0, 0)>
#map1 = affine_map<(d0, d1) -> (0, 0, 0)>
module attributes {stable_mosaic.version = 14 : i64} {
  func.func @_scat_body(%arg0: i32, %arg1: i32, %arg2: memref<10240x128xf32, #tpu.memory_space<hbm>>, %arg3: memref<2592x128xi32, #tpu.memory_space<hbm>>, %arg4: memref<2592x128xi32, #tpu.memory_space<hbm>>, %arg5: memref<632x128xf32, #tpu.memory_space<hbm>>, %arg6: memref<2x10240x128xf32, #tpu.memory_space<hbm>>, %arg7: memref<128xi32, #tpu.memory_space<vmem>>, %arg8: memref<128xi32, #tpu.memory_space<vmem>>, %arg9: memref<128xi32, #tpu.memory_space<vmem>>, %arg10: memref<128xi32, #tpu.memory_space<vmem>>, %arg11: memref<128xi32, #tpu.memory_space<vmem>>, %arg12: memref<128xi32, #tpu.memory_space<vmem>>, %arg13: memref<128x128xf32, #tpu.memory_space<vmem>>, %arg14: memref<128x128xf32, #tpu.memory_space<vmem>>, %arg15: memref<128x128xf32, #tpu.memory_space<vmem>>, %arg16: memref<10112x128xf32, #tpu.memory_space<vmem_shared>>, %arg17: memref<!tpu.dma_semaphore, #tpu.memory_space<semaphore_mem>>, %arg18: memref<!tpu.dma_semaphore, #tpu.memory_space<semaphore_mem>>, %arg19: memref<!tpu.dma_semaphore, #tpu.memory_space<semaphore_mem>>, %arg20: memref<!tpu.dma_semaphore, #tpu.memory_space<semaphore_mem>>, %arg21: memref<!tpu.dma_semaphore, #tpu.memory_space<semaphore_mem>>, %arg22: memref<!tpu.dma_semaphore, #tpu.memory_space<semaphore_mem>>, %arg23: memref<!tpu.dma_semaphore, #tpu.memory_space<semaphore_mem>>, %arg24: memref<!tpu.dma_semaphore, #tpu.memory_space<semaphore_mem>>, %arg25: memref<!tpu.dma_semaphore, #tpu.memory_space<semaphore_mem>>, %arg26: memref<!tpu.dma_semaphore, #tpu.memory_space<semaphore_mem>>, %arg27: memref<!tpu.dma_semaphore, #tpu.memory_space<semaphore_mem>>, %arg28: memref<!tpu.dma_semaphore, #tpu.memory_space<semaphore_mem>>) attributes {dimension_semantics = [#tpu.dimension_semantics<core_parallel>, #tpu.dimension_semantics<subcore_parallel>], iteration_bounds = array<i64: 2, 16>, scalar_prefetch = 0 : i64, scratch_operands = 22 : i64, tpu.core_type = #tpu.core_type<sc_vector_subcore>, window_params = [{transform_indices = #map}, {transform_indices = #map}, {transform_indices = #map}, {transform_indices = #map}, {transform_indices = #map1}]} {
    %mul3A = arith.constant 16 : i32
    %mul3A_0 = arith.muli %arg0, %mul3A : i32
    %add3A = arith.addi %mul3A_0, %arg1 : i32
    %mul3A_1 = arith.constant 81 : i32
    %mul3A_2 = arith.muli %add3A, %mul3A_1 : i32
    %add3A_3 = arith.constant 0 : i32
    %add3A_4 = arith.addi %mul3A_2, %add3A_3 : i32
    %dma_start3A = arith.constant 0 : i32
    %dma_start3A_5 = tpu.memref_slice %arg3[%add3A_4, %dma_start3A] : memref<2592x128xi32, #tpu.memory_space<hbm>> -> memref<1x128xi32, #tpu.memory_space<hbm>>
    %dma_start3A_6 = tpu.memref_squeeze %dma_start3A_5 : memref<1x128xi32, #tpu.memory_space<hbm>> -> memref<128xi32, #tpu.memory_space<hbm>>
    %dma_start3A_7 = arith.constant 0 : i32
    %dma_start3A_8 = tpu.memref_slice %arg3[%add3A_4, %dma_start3A_7] : memref<2592x128xi32, #tpu.memory_space<hbm>> -> memref<1x128xi32, #tpu.memory_space<hbm>>
    %dma_start3A_9 = tpu.memref_squeeze %dma_start3A_8 : memref<1x128xi32, #tpu.memory_space<hbm>> -> memref<128xi32, #tpu.memory_space<hbm>>
    tpu.enqueue_dma source(%dma_start3A_9 : memref<128xi32, #tpu.memory_space<hbm>>) target(%arg7 : memref<128xi32, #tpu.memory_space<vmem>>) target_semaphore(%arg17 : memref<!tpu.dma_semaphore, #tpu.memory_space<semaphore_mem>>)
    %add3A_10 = arith.constant 0 : i32
    %add3A_11 = arith.addi %mul3A_2, %add3A_10 : i32
    %dma_start3A_12 = arith.constant 0 : i32
    %dma_start3A_13 = tpu.memref_slice %arg4[%add3A_11, %dma_start3A_12] : memref<2592x128xi32, #tpu.memory_space<hbm>> -> memref<1x128xi32, #tpu.memory_space<hbm>>
    %dma_start3A_14 = tpu.memref_squeeze %dma_start3A_13 : memref<1x128xi32, #tpu.memory_space<hbm>> -> memref<128xi32, #tpu.memory_space<hbm>>
    %dma_start3A_15 = arith.constant 0 : i32
    %dma_start3A_16 = tpu.memref_slice %arg4[%add3A_11, %dma_start3A_15] : memref<2592x128xi32, #tpu.memory_space<hbm>> -> memref<1x128xi32, #tpu.memory_space<hbm>>
    %dma_start3A_17 = tpu.memref_squeeze %dma_start3A_16 : memref<1x128xi32, #tpu.memory_space<hbm>> -> memref<128xi32, #tpu.memory_space<hbm>>
    tpu.enqueue_dma source(%dma_start3A_17 : memref<128xi32, #tpu.memory_space<hbm>>) target(%arg10 : memref<128xi32, #tpu.memory_space<vmem>>) target_semaphore(%arg20 : memref<!tpu.dma_semaphore, #tpu.memory_space<semaphore_mem>>)
    %add3A_18 = arith.constant 1 : i32
    %add3A_19 = arith.addi %mul3A_2, %add3A_18 : i32
    %dma_start3A_20 = arith.constant 0 : i32
    %dma_start3A_21 = tpu.memref_slice %arg3[%add3A_19, %dma_start3A_20] : memref<2592x128xi32, #tpu.memory_space<hbm>> -> memref<1x128xi32, #tpu.memory_space<hbm>>
    %dma_start3A_22 = tpu.memref_squeeze %dma_start3A_21 : memref<1x128xi32, #tpu.memory_space<hbm>> -> memref<128xi32, #tpu.memory_space<hbm>>
    %dma_start3A_23 = arith.constant 0 : i32
    %dma_start3A_24 = tpu.memref_slice %arg3[%add3A_19, %dma_start3A_23] : memref<2592x128xi32, #tpu.memory_space<hbm>> -> memref<1x128xi32, #tpu.memory_space<hbm>>
    %dma_start3A_25 = tpu.memref_squeeze %dma_start3A_24 : memref<1x128xi32, #tpu.memory_space<hbm>> -> memref<128xi32, #tpu.memory_space<hbm>>
    tpu.enqueue_dma source(%dma_start3A_25 : memref<128xi32, #tpu.memory_space<hbm>>) target(%arg8 : memref<128xi32, #tpu.memory_space<vmem>>) target_semaphore(%arg18 : memref<!tpu.dma_semaphore, #tpu.memory_space<semaphore_mem>>)
    %add3A_26 = arith.constant 1 : i32
    %add3A_27 = arith.addi %mul3A_2, %add3A_26 : i32
    %dma_start3A_28 = arith.constant 0 : i32
    %dma_start3A_29 = tpu.memref_slice %arg4[%add3A_27, %dma_start3A_28] : memref<2592x128xi32, #tpu.memory_space<hbm>> -> memref<1x128xi32, #tpu.memory_space<hbm>>
    %dma_start3A_30 = tpu.memref_squeeze %dma_start3A_29 : memref<1x128xi32, #tpu.memory_space<hbm>> -> memref<128xi32, #tpu.memory_space<hbm>>
    %dma_start3A_31 = arith.constant 0 : i32
    %dma_start3A_32 = tpu.memref_slice %arg4[%add3A_27, %dma_start3A_31] : memref<2592x128xi32, #tpu.memory_space<hbm>> -> memref<1x128xi32, #tpu.memory_space<hbm>>
    %dma_start3A_33 = tpu.memref_squeeze %dma_start3A_32 : memref<1x128xi32, #tpu.memory_space<hbm>> -> memref<128xi32, #tpu.memory_space<hbm>>
    tpu.enqueue_dma source(%dma_start3A_33 : memref<128xi32, #tpu.memory_space<hbm>>) target(%arg11 : memref<128xi32, #tpu.memory_space<vmem>>) target_semaphore(%arg21 : memref<!tpu.dma_semaphore, #tpu.memory_space<semaphore_mem>>)
    %add3A_34 = arith.constant 2 : i32
    %add3A_35 = arith.addi %mul3A_2, %add3A_34 : i32
    %dma_start3A_36 = arith.constant 0 : i32
    %dma_start3A_37 = tpu.memref_slice %arg3[%add3A_35, %dma_start3A_36] : memref<2592x128xi32, #tpu.memory_space<hbm>> -> memref<1x128xi32, #tpu.memory_space<hbm>>
    %dma_start3A_38 = tpu.memref_squeeze %dma_start3A_37 : memref<1x128xi32, #tpu.memory_space<hbm>> -> memref<128xi32, #tpu.memory_space<hbm>>
    %dma_start3A_39 = arith.constant 0 : i32
    %dma_start3A_40 = tpu.memref_slice %arg3[%add3A_35, %dma_start3A_39] : memref<2592x128xi32, #tpu.memory_space<hbm>> -> memref<1x128xi32, #tpu.memory_space<hbm>>
    %dma_start3A_41 = tpu.memref_squeeze %dma_start3A_40 : memref<1x128xi32, #tpu.memory_space<hbm>> -> memref<128xi32, #tpu.memory_space<hbm>>
    tpu.enqueue_dma source(%dma_start3A_41 : memref<128xi32, #tpu.memory_space<hbm>>) target(%arg9 : memref<128xi32, #tpu.memory_space<vmem>>) target_semaphore(%arg19 : memref<!tpu.dma_semaphore, #tpu.memory_space<semaphore_mem>>)
    %add3A_42 = arith.constant 2 : i32
    %add3A_43 = arith.addi %mul3A_2, %add3A_42 : i32
    %dma_start3A_44 = arith.constant 0 : i32
    %dma_start3A_45 = tpu.memref_slice %arg4[%add3A_43, %dma_start3A_44] : memref<2592x128xi32, #tpu.memory_space<hbm>> -> memref<1x128xi32, #tpu.memory_space<hbm>>
    %dma_start3A_46 = tpu.memref_squeeze %dma_start3A_45 : memref<1x128xi32, #tpu.memory_space<hbm>> -> memref<128xi32, #tpu.memory_space<hbm>>
    %dma_start3A_47 = arith.constant 0 : i32
    %dma_start3A_48 = tpu.memref_slice %arg4[%add3A_43, %dma_start3A_47] : memref<2592x128xi32, #tpu.memory_space<hbm>> -> memref<1x128xi32, #tpu.memory_space<hbm>>
    %dma_start3A_49 = tpu.memref_squeeze %dma_start3A_48 : memref<1x128xi32, #tpu.memory_space<hbm>> -> memref<128xi32, #tpu.memory_space<hbm>>
    tpu.enqueue_dma source(%dma_start3A_49 : memref<128xi32, #tpu.memory_space<hbm>>) target(%arg12 : memref<128xi32, #tpu.memory_space<vmem>>) target_semaphore(%arg22 : memref<!tpu.dma_semaphore, #tpu.memory_space<semaphore_mem>>)
    %mul3A_50 = arith.constant 632 : i32
    %mul3A_51 = arith.muli %arg1, %mul3A_50 : i32
    "tpu.region"() ({
      %run_scoped3A = tpu.sem_alloc : memref<!tpu.dma_semaphore, #tpu.memory_space<semaphore_mem>>
      %dma_start3A_138 = arith.constant 0 : i32
      %dma_start3A_139 = tpu.memref_slice %arg16[%mul3A_51, %dma_start3A_138] : memref<10112x128xf32, #tpu.memory_space<vmem_shared>> -> memref<632x128xf32, #tpu.memory_space<vmem_shared>>
      tpu.enqueue_dma source(%arg5 : memref<632x128xf32, #tpu.memory_space<hbm>>) target(%dma_start3A_139 : memref<632x128xf32, #tpu.memory_space<vmem_shared>>) target_semaphore(%run_scoped3A : memref<!tpu.dma_semaphore, #tpu.memory_space<semaphore_mem>>)
      %dma_wait3A_140 = arith.constant 0 : i32
      %dma_wait3A_141 = tpu.memref_slice %arg16[%mul3A_51, %dma_wait3A_140] : memref<10112x128xf32, #tpu.memory_space<vmem_shared>> -> memref<632x128xf32, #tpu.memory_space<vmem_shared>>
      tpu.wait_dma2 semaphore(%run_scoped3A : memref<!tpu.dma_semaphore, #tpu.memory_space<semaphore_mem>>) src(%arg5 : memref<632x128xf32, #tpu.memory_space<hbm>>) dst(%dma_wait3A_141 : memref<632x128xf32, #tpu.memory_space<vmem_shared>>)
      tpu.yield
    }) : () -> ()
    %add3A_52 = arith.constant 0 : i32
    %add3A_53 = arith.addi %mul3A_2, %add3A_52 : i32
    %dma_wait3A = arith.constant 0 : i32
    %dma_wait3A_54 = tpu.memref_slice %arg3[%add3A_53, %dma_wait3A] : memref<2592x128xi32, #tpu.memory_space<hbm>> -> memref<1x128xi32, #tpu.memory_space<hbm>>
    %dma_wait3A_55 = tpu.memref_squeeze %dma_wait3A_54 : memref<1x128xi32, #tpu.memory_space<hbm>> -> memref<128xi32, #tpu.memory_space<hbm>>
    %dma_wait3A_56 = arith.constant 0 : i32
    %dma_wait3A_57 = tpu.memref_slice %arg3[%add3A_53, %dma_wait3A_56] : memref<2592x128xi32, #tpu.memory_space<hbm>> -> memref<1x128xi32, #tpu.memory_space<hbm>>
    %dma_wait3A_58 = tpu.memref_squeeze %dma_wait3A_57 : memref<1x128xi32, #tpu.memory_space<hbm>> -> memref<128xi32, #tpu.memory_space<hbm>>
    tpu.wait_dma2 semaphore(%arg17 : memref<!tpu.dma_semaphore, #tpu.memory_space<semaphore_mem>>) src(%dma_wait3A_58 : memref<128xi32, #tpu.memory_space<hbm>>) dst(%arg7 : memref<128xi32, #tpu.memory_space<vmem>>)
    %dma_start3A_59 = arith.constant 0 : i32
    %dma_start3A_60 = arith.constant 0 : i32
    %dma_start3A_61 = tpu.memref_slice %arg2[%dma_start3A_59, %dma_start3A_60] : memref<10240x128xf32, #tpu.memory_space<hbm>> -> memref<10240x128xf32, #tpu.memory_space<hbm>>
    tpu.enqueue_indirect_dma source(%dma_start3A_61 : memref<10240x128xf32, #tpu.memory_space<hbm>>) target(%arg13 : memref<128x128xf32, #tpu.memory_space<vmem>>) offsets(%arg7 : memref<128xi32, #tpu.memory_space<vmem>>) semaphore(%arg23 : memref<!tpu.dma_semaphore, #tpu.memory_space<semaphore_mem>>)
    %add3A_62 = arith.constant 1 : i32
    %add3A_63 = arith.addi %mul3A_2, %add3A_62 : i32
    %dma_wait3A_64 = arith.constant 0 : i32
    %dma_wait3A_65 = tpu.memref_slice %arg3[%add3A_63, %dma_wait3A_64] : memref<2592x128xi32, #tpu.memory_space<hbm>> -> memref<1x128xi32, #tpu.memory_space<hbm>>
    %dma_wait3A_66 = tpu.memref_squeeze %dma_wait3A_65 : memref<1x128xi32, #tpu.memory_space<hbm>> -> memref<128xi32, #tpu.memory_space<hbm>>
    %dma_wait3A_67 = arith.constant 0 : i32
    %dma_wait3A_68 = tpu.memref_slice %arg3[%add3A_63, %dma_wait3A_67] : memref<2592x128xi32, #tpu.memory_space<hbm>> -> memref<1x128xi32, #tpu.memory_space<hbm>>
    %dma_wait3A_69 = tpu.memref_squeeze %dma_wait3A_68 : memref<1x128xi32, #tpu.memory_space<hbm>> -> memref<128xi32, #tpu.memory_space<hbm>>
    tpu.wait_dma2 semaphore(%arg18 : memref<!tpu.dma_semaphore, #tpu.memory_space<semaphore_mem>>) src(%dma_wait3A_69 : memref<128xi32, #tpu.memory_space<hbm>>) dst(%arg8 : memref<128xi32, #tpu.memory_space<vmem>>)
    %dma_start3A_70 = arith.constant 0 : i32
    %dma_start3A_71 = arith.constant 0 : i32
    %dma_start3A_72 = tpu.memref_slice %arg2[%dma_start3A_70, %dma_start3A_71] : memref<10240x128xf32, #tpu.memory_space<hbm>> -> memref<10240x128xf32, #tpu.memory_space<hbm>>
    tpu.enqueue_indirect_dma source(%dma_start3A_72 : memref<10240x128xf32, #tpu.memory_space<hbm>>) target(%arg14 : memref<128x128xf32, #tpu.memory_space<vmem>>) offsets(%arg8 : memref<128xi32, #tpu.memory_space<vmem>>) semaphore(%arg24 : memref<!tpu.dma_semaphore, #tpu.memory_space<semaphore_mem>>)
    %add3A_73 = arith.constant 2 : i32
    %add3A_74 = arith.addi %mul3A_2, %add3A_73 : i32
    %dma_wait3A_75 = arith.constant 0 : i32
    %dma_wait3A_76 = tpu.memref_slice %arg3[%add3A_74, %dma_wait3A_75] : memref<2592x128xi32, #tpu.memory_space<hbm>> -> memref<1x128xi32, #tpu.memory_space<hbm>>
    %dma_wait3A_77 = tpu.memref_squeeze %dma_wait3A_76 : memref<1x128xi32, #tpu.memory_space<hbm>> -> memref<128xi32, #tpu.memory_space<hbm>>
    %dma_wait3A_78 = arith.constant 0 : i32
    %dma_wait3A_79 = tpu.memref_slice %arg3[%add3A_74, %dma_wait3A_78] : memref<2592x128xi32, #tpu.memory_space<hbm>> -> memref<1x128xi32, #tpu.memory_space<hbm>>
    %dma_wait3A_80 = tpu.memref_squeeze %dma_wait3A_79 : memref<1x128xi32, #tpu.memory_space<hbm>> -> memref<128xi32, #tpu.memory_space<hbm>>
    tpu.wait_dma2 semaphore(%arg19 : memref<!tpu.dma_semaphore, #tpu.memory_space<semaphore_mem>>) src(%dma_wait3A_80 : memref<128xi32, #tpu.memory_space<hbm>>) dst(%arg9 : memref<128xi32, #tpu.memory_space<vmem>>)
    %dma_start3A_81 = arith.constant 0 : i32
    %dma_start3A_82 = arith.constant 0 : i32
    %dma_start3A_83 = tpu.memref_slice %arg2[%dma_start3A_81, %dma_start3A_82] : memref<10240x128xf32, #tpu.memory_space<hbm>> -> memref<10240x128xf32, #tpu.memory_space<hbm>>
    tpu.enqueue_indirect_dma source(%dma_start3A_83 : memref<10240x128xf32, #tpu.memory_space<hbm>>) target(%arg15 : memref<128x128xf32, #tpu.memory_space<vmem>>) offsets(%arg9 : memref<128xi32, #tpu.memory_space<vmem>>) semaphore(%arg25 : memref<!tpu.dma_semaphore, #tpu.memory_space<semaphore_mem>>)
    %barrier3A = arith.constant 0 : index
    tpu.barrier barrier_id(%barrier3A)
    %scan3A = arith.constant 0 : i32
    %scan3A_84 = arith.constant 26 : i32
    %scan3A_85 = arith.addi %scan3A, %scan3A_84 : i32
    %scan3A_86 = arith.constant 1 : i32
    scf.for %scan3A_138 = %scan3A to %scan3A_85 step %scan3A_86  : i32 {
      %mul3A_139 = arith.constant 3 : i32
      %mul3A_140 = arith.muli %scan3A_138, %mul3A_139 : i32
      %add3A_141 = arith.constant 0 : i32
      %add3A_142 = arith.addi %add3A_141, %mul3A_140 : i32
      %dma_wait3A_143 = arith.constant 0 : i32
      %dma_wait3A_144 = arith.constant 0 : i32
      %dma_wait3A_145 = tpu.memref_slice %arg2[%dma_wait3A_143, %dma_wait3A_144] : memref<10240x128xf32, #tpu.memory_space<hbm>> -> memref<10240x128xf32, #tpu.memory_space<hbm>>
      tpu.wait_indirect_dma semaphore(%arg23 : memref<!tpu.dma_semaphore, #tpu.memory_space<semaphore_mem>>) src(%dma_wait3A_145 : memref<10240x128xf32, #tpu.memory_space<hbm>>) dst(%arg13 : memref<128x128xf32, #tpu.memory_space<vmem>>)
      %add3A_146 = arith.addi %mul3A_2, %add3A_142 : i32
      %add3A_147 = arith.constant 0 : i32
      %add3A_148 = arith.addi %add3A_146, %add3A_147 : i32
      %add3A_149 = arith.constant 3 : i32
      %add3A_150 = arith.addi %add3A_148, %add3A_149 : i32
      %dma_start3A_151 = arith.constant 0 : i32
      %dma_start3A_152 = tpu.memref_slice %arg3[%add3A_150, %dma_start3A_151] : memref<2592x128xi32, #tpu.memory_space<hbm>> -> memref<1x128xi32, #tpu.memory_space<hbm>>
      %dma_start3A_153 = tpu.memref_squeeze %dma_start3A_152 : memref<1x128xi32, #tpu.memory_space<hbm>> -> memref<128xi32, #tpu.memory_space<hbm>>
      %dma_start3A_154 = arith.constant 0 : i32
      %dma_start3A_155 = tpu.memref_slice %arg3[%add3A_150, %dma_start3A_154] : memref<2592x128xi32, #tpu.memory_space<hbm>> -> memref<1x128xi32, #tpu.memory_space<hbm>>
      %dma_start3A_156 = tpu.memref_squeeze %dma_start3A_155 : memref<1x128xi32, #tpu.memory_space<hbm>> -> memref<128xi32, #tpu.memory_space<hbm>>
      tpu.enqueue_dma source(%dma_start3A_156 : memref<128xi32, #tpu.memory_space<hbm>>) target(%arg7 : memref<128xi32, #tpu.memory_space<vmem>>) target_semaphore(%arg17 : memref<!tpu.dma_semaphore, #tpu.memory_space<semaphore_mem>>)
      %dma_wait3A_157 = arith.constant 0 : i32
      %dma_wait3A_158 = tpu.memref_slice %arg4[%mul3A_2, %dma_wait3A_157] : memref<2592x128xi32, #tpu.memory_space<hbm>> -> memref<1x128xi32, #tpu.memory_space<hbm>>
      %dma_wait3A_159 = tpu.memref_squeeze %dma_wait3A_158 : memref<1x128xi32, #tpu.memory_space<hbm>> -> memref<128xi32, #tpu.memory_space<hbm>>
      %dma_wait3A_160 = arith.constant 0 : i32
      %dma_wait3A_161 = tpu.memref_slice %arg4[%mul3A_2, %dma_wait3A_160] : memref<2592x128xi32, #tpu.memory_space<hbm>> -> memref<1x128xi32, #tpu.memory_space<hbm>>
      %dma_wait3A_162 = tpu.memref_squeeze %dma_wait3A_161 : memref<1x128xi32, #tpu.memory_space<hbm>> -> memref<128xi32, #tpu.memory_space<hbm>>
      tpu.wait_dma2 semaphore(%arg20 : memref<!tpu.dma_semaphore, #tpu.memory_space<semaphore_mem>>) src(%dma_wait3A_162 : memref<128xi32, #tpu.memory_space<hbm>>) dst(%arg10 : memref<128xi32, #tpu.memory_space<vmem>>)
      %dma_start3A_163 = arith.constant 0 : i32
      %dma_start3A_164 = arith.constant 0 : i32
      %dma_start3A_165 = tpu.memref_slice %arg16[%dma_start3A_163, %dma_start3A_164] : memref<10112x128xf32, #tpu.memory_space<vmem_shared>> -> memref<10112x128xf32, #tpu.memory_space<vmem_shared>>
      tpu.enqueue_indirect_dma source(%arg13 : memref<128x128xf32, #tpu.memory_space<vmem>>) target(%dma_start3A_165 : memref<10112x128xf32, #tpu.memory_space<vmem_shared>>) offsets(%arg10 : memref<128xi32, #tpu.memory_space<vmem>>) semaphore(%arg26 : memref<!tpu.dma_semaphore, #tpu.memory_space<semaphore_mem>>) {add = true}
      %dma_wait3A_166 = arith.constant 0 : i32
      %dma_wait3A_167 = arith.constant 0 : i32
      %dma_wait3A_168 = tpu.memref_slice %arg2[%dma_wait3A_166, %dma_wait3A_167] : memref<10240x128xf32, #tpu.memory_space<hbm>> -> memref<10240x128xf32, #tpu.memory_space<hbm>>
      tpu.wait_indirect_dma semaphore(%arg24 : memref<!tpu.dma_semaphore, #tpu.memory_space<semaphore_mem>>) src(%dma_wait3A_168 : memref<10240x128xf32, #tpu.memory_space<hbm>>) dst(%arg14 : memref<128x128xf32, #tpu.memory_space<vmem>>)
      %add3A_169 = arith.addi %mul3A_2, %add3A_142 : i32
      %add3A_170 = arith.constant 1 : i32
      %add3A_171 = arith.addi %add3A_169, %add3A_170 : i32
      %add3A_172 = arith.constant 3 : i32
      %add3A_173 = arith.addi %add3A_171, %add3A_172 : i32
      %dma_start3A_174 = arith.constant 0 : i32
      %dma_start3A_175 = tpu.memref_slice %arg3[%add3A_173, %dma_start3A_174] : memref<2592x128xi32, #tpu.memory_space<hbm>> -> memref<1x128xi32, #tpu.memory_space<hbm>>
      %dma_start3A_176 = tpu.memref_squeeze %dma_start3A_175 : memref<1x128xi32, #tpu.memory_space<hbm>> -> memref<128xi32, #tpu.memory_space<hbm>>
      %dma_start3A_177 = arith.constant 0 : i32
      %dma_start3A_178 = tpu.memref_slice %arg3[%add3A_173, %dma_start3A_177] : memref<2592x128xi32, #tpu.memory_space<hbm>> -> memref<1x128xi32, #tpu.memory_space<hbm>>
      %dma_start3A_179 = tpu.memref_squeeze %dma_start3A_178 : memref<1x128xi32, #tpu.memory_space<hbm>> -> memref<128xi32, #tpu.memory_space<hbm>>
      tpu.enqueue_dma source(%dma_start3A_179 : memref<128xi32, #tpu.memory_space<hbm>>) target(%arg8 : memref<128xi32, #tpu.memory_space<vmem>>) target_semaphore(%arg18 : memref<!tpu.dma_semaphore, #tpu.memory_space<semaphore_mem>>)
      %dma_wait3A_180 = arith.constant 0 : i32
      %dma_wait3A_181 = tpu.memref_slice %arg4[%mul3A_2, %dma_wait3A_180] : memref<2592x128xi32, #tpu.memory_space<hbm>> -> memref<1x128xi32, #tpu.memory_space<hbm>>
      %dma_wait3A_182 = tpu.memref_squeeze %dma_wait3A_181 : memref<1x128xi32, #tpu.memory_space<hbm>> -> memref<128xi32, #tpu.memory_space<hbm>>
      %dma_wait3A_183 = arith.constant 0 : i32
      %dma_wait3A_184 = tpu.memref_slice %arg4[%mul3A_2, %dma_wait3A_183] : memref<2592x128xi32, #tpu.memory_space<hbm>> -> memref<1x128xi32, #tpu.memory_space<hbm>>
      %dma_wait3A_185 = tpu.memref_squeeze %dma_wait3A_184 : memref<1x128xi32, #tpu.memory_space<hbm>> -> memref<128xi32, #tpu.memory_space<hbm>>
      tpu.wait_dma2 semaphore(%arg21 : memref<!tpu.dma_semaphore, #tpu.memory_space<semaphore_mem>>) src(%dma_wait3A_185 : memref<128xi32, #tpu.memory_space<hbm>>) dst(%arg11 : memref<128xi32, #tpu.memory_space<vmem>>)
      %dma_start3A_186 = arith.constant 0 : i32
      %dma_start3A_187 = arith.constant 0 : i32
      %dma_start3A_188 = tpu.memref_slice %arg16[%dma_start3A_186, %dma_start3A_187] : memref<10112x128xf32, #tpu.memory_space<vmem_shared>> -> memref<10112x128xf32, #tpu.memory_space<vmem_shared>>
      tpu.enqueue_indirect_dma source(%arg14 : memref<128x128xf32, #tpu.memory_space<vmem>>) target(%dma_start3A_188 : memref<10112x128xf32, #tpu.memory_space<vmem_shared>>) offsets(%arg11 : memref<128xi32, #tpu.memory_space<vmem>>) semaphore(%arg27 : memref<!tpu.dma_semaphore, #tpu.memory_space<semaphore_mem>>) {add = true}
      %dma_wait3A_189 = arith.constant 0 : i32
      %dma_wait3A_190 = arith.constant 0 : i32
      %dma_wait3A_191 = tpu.memref_slice %arg2[%dma_wait3A_189, %dma_wait3A_190] : memref<10240x128xf32, #tpu.memory_space<hbm>> -> memref<10240x128xf32, #tpu.memory_space<hbm>>
      tpu.wait_indirect_dma semaphore(%arg25 : memref<!tpu.dma_semaphore, #tpu.memory_space<semaphore_mem>>) src(%dma_wait3A_191 : memref<10240x128xf32, #tpu.memory_space<hbm>>) dst(%arg15 : memref<128x128xf32, #tpu.memory_space<vmem>>)
      %add3A_192 = arith.addi %mul3A_2, %add3A_142 : i32
      %add3A_193 = arith.constant 2 : i32
      %add3A_194 = arith.addi %add3A_192, %add3A_193 : i32
      %add3A_195 = arith.constant 3 : i32
      %add3A_196 = arith.addi %add3A_194, %add3A_195 : i32
      %dma_start3A_197 = arith.constant 0 : i32
      %dma_start3A_198 = tpu.memref_slice %arg3[%add3A_196, %dma_start3A_197] : memref<2592x128xi32, #tpu.memory_space<hbm>> -> memref<1x128xi32, #tpu.memory_space<hbm>>
      %dma_start3A_199 = tpu.memref_squeeze %dma_start3A_198 : memref<1x128xi32, #tpu.memory_space<hbm>> -> memref<128xi32, #tpu.memory_space<hbm>>
      %dma_start3A_200 = arith.constant 0 : i32
      %dma_start3A_201 = tpu.memref_slice %arg3[%add3A_196, %dma_start3A_200] : memref<2592x128xi32, #tpu.memory_space<hbm>> -> memref<1x128xi32, #tpu.memory_space<hbm>>
      %dma_start3A_202 = tpu.memref_squeeze %dma_start3A_201 : memref<1x128xi32, #tpu.memory_space<hbm>> -> memref<128xi32, #tpu.memory_space<hbm>>
      tpu.enqueue_dma source(%dma_start3A_202 : memref<128xi32, #tpu.memory_space<hbm>>) target(%arg9 : memref<128xi32, #tpu.memory_space<vmem>>) target_semaphore(%arg19 : memref<!tpu.dma_semaphore, #tpu.memory_space<semaphore_mem>>)
      %dma_wait3A_203 = arith.constant 0 : i32
      %dma_wait3A_204 = tpu.memref_slice %arg4[%mul3A_2, %dma_wait3A_203] : memref<2592x128xi32, #tpu.memory_space<hbm>> -> memref<1x128xi32, #tpu.memory_space<hbm>>
      %dma_wait3A_205 = tpu.memref_squeeze %dma_wait3A_204 : memref<1x128xi32, #tpu.memory_space<hbm>> -> memref<128xi32, #tpu.memory_space<hbm>>
      %dma_wait3A_206 = arith.constant 0 : i32
      %dma_wait3A_207 = tpu.memref_slice %arg4[%mul3A_2, %dma_wait3A_206] : memref<2592x128xi32, #tpu.memory_space<hbm>> -> memref<1x128xi32, #tpu.memory_space<hbm>>
      %dma_wait3A_208 = tpu.memref_squeeze %dma_wait3A_207 : memref<1x128xi32, #tpu.memory_space<hbm>> -> memref<128xi32, #tpu.memory_space<hbm>>
      tpu.wait_dma2 semaphore(%arg22 : memref<!tpu.dma_semaphore, #tpu.memory_space<semaphore_mem>>) src(%dma_wait3A_208 : memref<128xi32, #tpu.memory_space<hbm>>) dst(%arg12 : memref<128xi32, #tpu.memory_space<vmem>>)
      %dma_start3A_209 = arith.constant 0 : i32
      %dma_start3A_210 = arith.constant 0 : i32
      %dma_start3A_211 = tpu.memref_slice %arg16[%dma_start3A_209, %dma_start3A_210] : memref<10112x128xf32, #tpu.memory_space<vmem_shared>> -> memref<10112x128xf32, #tpu.memory_space<vmem_shared>>
      tpu.enqueue_indirect_dma source(%arg15 : memref<128x128xf32, #tpu.memory_space<vmem>>) target(%dma_start3A_211 : memref<10112x128xf32, #tpu.memory_space<vmem_shared>>) offsets(%arg12 : memref<128xi32, #tpu.memory_space<vmem>>) semaphore(%arg28 : memref<!tpu.dma_semaphore, #tpu.memory_space<semaphore_mem>>) {add = true}
      %dma_wait3A_212 = arith.constant 0 : i32
      %dma_wait3A_213 = arith.constant 0 : i32
      %dma_wait3A_214 = tpu.memref_slice %arg16[%dma_wait3A_212, %dma_wait3A_213] : memref<10112x128xf32, #tpu.memory_space<vmem_shared>> -> memref<10112x128xf32, #tpu.memory_space<vmem_shared>>
      tpu.wait_indirect_dma semaphore(%arg26 : memref<!tpu.dma_semaphore, #tpu.memory_space<semaphore_mem>>) src(%arg13 : memref<128x128xf32, #tpu.memory_space<vmem>>) dst(%dma_wait3A_214 : memref<10112x128xf32, #tpu.memory_space<vmem_shared>>)
      %add3A_215 = arith.addi %mul3A_2, %add3A_142 : i32
      %add3A_216 = arith.constant 0 : i32
      %add3A_217 = arith.addi %add3A_215, %add3A_216 : i32
      %add3A_218 = arith.constant 3 : i32
      %add3A_219 = arith.addi %add3A_217, %add3A_218 : i32
      %dma_start3A_220 = arith.constant 0 : i32
      %dma_start3A_221 = tpu.memref_slice %arg4[%add3A_219, %dma_start3A_220] : memref<2592x128xi32, #tpu.memory_space<hbm>> -> memref<1x128xi32, #tpu.memory_space<hbm>>
      %dma_start3A_222 = tpu.memref_squeeze %dma_start3A_221 : memref<1x128xi32, #tpu.memory_space<hbm>> -> memref<128xi32, #tpu.memory_space<hbm>>
      %dma_start3A_223 = arith.constant 0 : i32
      %dma_start3A_224 = tpu.memref_slice %arg4[%add3A_219, %dma_start3A_223] : memref<2592x128xi32, #tpu.memory_space<hbm>> -> memref<1x128xi32, #tpu.memory_space<hbm>>
      %dma_start3A_225 = tpu.memref_squeeze %dma_start3A_224 : memref<1x128xi32, #tpu.memory_space<hbm>> -> memref<128xi32, #tpu.memory_space<hbm>>
      tpu.enqueue_dma source(%dma_start3A_225 : memref<128xi32, #tpu.memory_space<hbm>>) target(%arg10 : memref<128xi32, #tpu.memory_space<vmem>>) target_semaphore(%arg20 : memref<!tpu.dma_semaphore, #tpu.memory_space<semaphore_mem>>)
      %dma_wait3A_226 = arith.constant 0 : i32
      %dma_wait3A_227 = tpu.memref_slice %arg3[%mul3A_2, %dma_wait3A_226] : memref<2592x128xi32, #tpu.memory_space<hbm>> -> memref<1x128xi32, #tpu.memory_space<hbm>>
      %dma_wait3A_228 = tpu.memref_squeeze %dma_wait3A_227 : memref<1x128xi32, #tpu.memory_space<hbm>> -> memref<128xi32, #tpu.memory_space<hbm>>
      %dma_wait3A_229 = arith.constant 0 : i32
      %dma_wait3A_230 = tpu.memref_slice %arg3[%mul3A_2, %dma_wait3A_229] : memref<2592x128xi32, #tpu.memory_space<hbm>> -> memref<1x128xi32, #tpu.memory_space<hbm>>
      %dma_wait3A_231 = tpu.memref_squeeze %dma_wait3A_230 : memref<1x128xi32, #tpu.memory_space<hbm>> -> memref<128xi32, #tpu.memory_space<hbm>>
      tpu.wait_dma2 semaphore(%arg17 : memref<!tpu.dma_semaphore, #tpu.memory_space<semaphore_mem>>) src(%dma_wait3A_231 : memref<128xi32, #tpu.memory_space<hbm>>) dst(%arg7 : memref<128xi32, #tpu.memory_space<vmem>>)
      %dma_start3A_232 = arith.constant 0 : i32
      %dma_start3A_233 = arith.constant 0 : i32
      %dma_start3A_234 = tpu.memref_slice %arg2[%dma_start3A_232, %dma_start3A_233] : memref<10240x128xf32, #tpu.memory_space<hbm>> -> memref<10240x128xf32, #tpu.memory_space<hbm>>
      tpu.enqueue_indirect_dma source(%dma_start3A_234 : memref<10240x128xf32, #tpu.memory_space<hbm>>) target(%arg13 : memref<128x128xf32, #tpu.memory_space<vmem>>) offsets(%arg7 : memref<128xi32, #tpu.memory_space<vmem>>) semaphore(%arg23 : memref<!tpu.dma_semaphore, #tpu.memory_space<semaphore_mem>>)
      %dma_wait3A_235 = arith.constant 0 : i32
      %dma_wait3A_236 = arith.constant 0 : i32
      %dma_wait3A_237 = tpu.memref_slice %arg16[%dma_wait3A_235, %dma_wait3A_236] : memref<10112x128xf32, #tpu.memory_space<vmem_shared>> -> memref<10112x128xf32, #tpu.memory_space<vmem_shared>>
      tpu.wait_indirect_dma semaphore(%arg27 : memref<!tpu.dma_semaphore, #tpu.memory_space<semaphore_mem>>) src(%arg14 : memref<128x128xf32, #tpu.memory_space<vmem>>) dst(%dma_wait3A_237 : memref<10112x128xf32, #tpu.memory_space<vmem_shared>>)
      %add3A_238 = arith.addi %mul3A_2, %add3A_142 : i32
      %add3A_239 = arith.constant 1 : i32
      %add3A_240 = arith.addi %add3A_238, %add3A_239 : i32
      %add3A_241 = arith.constant 3 : i32
      %add3A_242 = arith.addi %add3A_240, %add3A_241 : i32
      %dma_start3A_243 = arith.constant 0 : i32
      %dma_start3A_244 = tpu.memref_slice %arg4[%add3A_242, %dma_start3A_243] : memref<2592x128xi32, #tpu.memory_space<hbm>> -> memref<1x128xi32, #tpu.memory_space<hbm>>
      %dma_start3A_245 = tpu.memref_squeeze %dma_start3A_244 : memref<1x128xi32, #tpu.memory_space<hbm>> -> memref<128xi32, #tpu.memory_space<hbm>>
      %dma_start3A_246 = arith.constant 0 : i32
      %dma_start3A_247 = tpu.memref_slice %arg4[%add3A_242, %dma_start3A_246] : memref<2592x128xi32, #tpu.memory_space<hbm>> -> memref<1x128xi32, #tpu.memory_space<hbm>>
      %dma_start3A_248 = tpu.memref_squeeze %dma_start3A_247 : memref<1x128xi32, #tpu.memory_space<hbm>> -> memref<128xi32, #tpu.memory_space<hbm>>
      tpu.enqueue_dma source(%dma_start3A_248 : memref<128xi32, #tpu.memory_space<hbm>>) target(%arg11 : memref<128xi32, #tpu.memory_space<vmem>>) target_semaphore(%arg21 : memref<!tpu.dma_semaphore, #tpu.memory_space<semaphore_mem>>)
      %dma_wait3A_249 = arith.constant 0 : i32
      %dma_wait3A_250 = tpu.memref_slice %arg3[%mul3A_2, %dma_wait3A_249] : memref<2592x128xi32, #tpu.memory_space<hbm>> -> memref<1x128xi32, #tpu.memory_space<hbm>>
      %dma_wait3A_251 = tpu.memref_squeeze %dma_wait3A_250 : memref<1x128xi32, #tpu.memory_space<hbm>> -> memref<128xi32, #tpu.memory_space<hbm>>
      %dma_wait3A_252 = arith.constant 0 : i32
      %dma_wait3A_253 = tpu.memref_slice %arg3[%mul3A_2, %dma_wait3A_252] : memref<2592x128xi32, #tpu.memory_space<hbm>> -> memref<1x128xi32, #tpu.memory_space<hbm>>
      %dma_wait3A_254 = tpu.memref_squeeze %dma_wait3A_253 : memref<1x128xi32, #tpu.memory_space<hbm>> -> memref<128xi32, #tpu.memory_space<hbm>>
      tpu.wait_dma2 semaphore(%arg18 : memref<!tpu.dma_semaphore, #tpu.memory_space<semaphore_mem>>) src(%dma_wait3A_254 : memref<128xi32, #tpu.memory_space<hbm>>) dst(%arg8 : memref<128xi32, #tpu.memory_space<vmem>>)
      %dma_start3A_255 = arith.constant 0 : i32
      %dma_start3A_256 = arith.constant 0 : i32
      %dma_start3A_257 = tpu.memref_slice %arg2[%dma_start3A_255, %dma_start3A_256] : memref<10240x128xf32, #tpu.memory_space<hbm>> -> memref<10240x128xf32, #tpu.memory_space<hbm>>
      tpu.enqueue_indirect_dma source(%dma_start3A_257 : memref<10240x128xf32, #tpu.memory_space<hbm>>) target(%arg14 : memref<128x128xf32, #tpu.memory_space<vmem>>) offsets(%arg8 : memref<128xi32, #tpu.memory_space<vmem>>) semaphore(%arg24 : memref<!tpu.dma_semaphore, #tpu.memory_space<semaphore_mem>>)
      %dma_wait3A_258 = arith.constant 0 : i32
      %dma_wait3A_259 = arith.constant 0 : i32
      %dma_wait3A_260 = tpu.memref_slice %arg16[%dma_wait3A_258, %dma_wait3A_259] : memref<10112x128xf32, #tpu.memory_space<vmem_shared>> -> memref<10112x128xf32, #tpu.memory_space<vmem_shared>>
      tpu.wait_indirect_dma semaphore(%arg28 : memref<!tpu.dma_semaphore, #tpu.memory_space<semaphore_mem>>) src(%arg15 : memref<128x128xf32, #tpu.memory_space<vmem>>) dst(%dma_wait3A_260 : memref<10112x128xf32, #tpu.memory_space<vmem_shared>>)
      %add3A_261 = arith.addi %mul3A_2, %add3A_142 : i32
      %add3A_262 = arith.constant 2 : i32
      %add3A_263 = arith.addi %add3A_261, %add3A_262 : i32
      %add3A_264 = arith.constant 3 : i32
      %add3A_265 = arith.addi %add3A_263, %add3A_264 : i32
      %dma_start3A_266 = arith.constant 0 : i32
      %dma_start3A_267 = tpu.memref_slice %arg4[%add3A_265, %dma_start3A_266] : memref<2592x128xi32, #tpu.memory_space<hbm>> -> memref<1x128xi32, #tpu.memory_space<hbm>>
      %dma_start3A_268 = tpu.memref_squeeze %dma_start3A_267 : memref<1x128xi32, #tpu.memory_space<hbm>> -> memref<128xi32, #tpu.memory_space<hbm>>
      %dma_start3A_269 = arith.constant 0 : i32
      %dma_start3A_270 = tpu.memref_slice %arg4[%add3A_265, %dma_start3A_269] : memref<2592x128xi32, #tpu.memory_space<hbm>> -> memref<1x128xi32, #tpu.memory_space<hbm>>
      %dma_start3A_271 = tpu.memref_squeeze %dma_start3A_270 : memref<1x128xi32, #tpu.memory_space<hbm>> -> memref<128xi32, #tpu.memory_space<hbm>>
      tpu.enqueue_dma source(%dma_start3A_271 : memref<128xi32, #tpu.memory_space<hbm>>) target(%arg12 : memref<128xi32, #tpu.memory_space<vmem>>) target_semaphore(%arg22 : memref<!tpu.dma_semaphore, #tpu.memory_space<semaphore_mem>>)
      %dma_wait3A_272 = arith.constant 0 : i32
      %dma_wait3A_273 = tpu.memref_slice %arg3[%mul3A_2, %dma_wait3A_272] : memref<2592x128xi32, #tpu.memory_space<hbm>> -> memref<1x128xi32, #tpu.memory_space<hbm>>
      %dma_wait3A_274 = tpu.memref_squeeze %dma_wait3A_273 : memref<1x128xi32, #tpu.memory_space<hbm>> -> memref<128xi32, #tpu.memory_space<hbm>>
      %dma_wait3A_275 = arith.constant 0 : i32
      %dma_wait3A_276 = tpu.memref_slice %arg3[%mul3A_2, %dma_wait3A_275] : memref<2592x128xi32, #tpu.memory_space<hbm>> -> memref<1x128xi32, #tpu.memory_space<hbm>>
      %dma_wait3A_277 = tpu.memref_squeeze %dma_wait3A_276 : memref<1x128xi32, #tpu.memory_space<hbm>> -> memref<128xi32, #tpu.memory_space<hbm>>
      tpu.wait_dma2 semaphore(%arg19 : memref<!tpu.dma_semaphore, #tpu.memory_space<semaphore_mem>>) src(%dma_wait3A_277 : memref<128xi32, #tpu.memory_space<hbm>>) dst(%arg9 : memref<128xi32, #tpu.memory_space<vmem>>)
      %dma_start3A_278 = arith.constant 0 : i32
      %dma_start3A_279 = arith.constant 0 : i32
      %dma_start3A_280 = tpu.memref_slice %arg2[%dma_start3A_278, %dma_start3A_279] : memref<10240x128xf32, #tpu.memory_space<hbm>> -> memref<10240x128xf32, #tpu.memory_space<hbm>>
      tpu.enqueue_indirect_dma source(%dma_start3A_280 : memref<10240x128xf32, #tpu.memory_space<hbm>>) target(%arg15 : memref<128x128xf32, #tpu.memory_space<vmem>>) offsets(%arg9 : memref<128xi32, #tpu.memory_space<vmem>>) semaphore(%arg25 : memref<!tpu.dma_semaphore, #tpu.memory_space<semaphore_mem>>)
    }
    %scan3A_87 = arith.constant 26 : i32
    %dma_wait3A_88 = arith.constant 0 : i32
    %dma_wait3A_89 = arith.constant 0 : i32
    %dma_wait3A_90 = tpu.memref_slice %arg2[%dma_wait3A_88, %dma_wait3A_89] : memref<10240x128xf32, #tpu.memory_space<hbm>> -> memref<10240x128xf32, #tpu.memory_space<hbm>>
    tpu.wait_indirect_dma semaphore(%arg23 : memref<!tpu.dma_semaphore, #tpu.memory_space<semaphore_mem>>) src(%dma_wait3A_90 : memref<10240x128xf32, #tpu.memory_space<hbm>>) dst(%arg13 : memref<128x128xf32, #tpu.memory_space<vmem>>)
    %dma_wait3A_91 = arith.constant 0 : i32
    %dma_wait3A_92 = tpu.memref_slice %arg4[%mul3A_2, %dma_wait3A_91] : memref<2592x128xi32, #tpu.memory_space<hbm>> -> memref<1x128xi32, #tpu.memory_space<hbm>>
    %dma_wait3A_93 = tpu.memref_squeeze %dma_wait3A_92 : memref<1x128xi32, #tpu.memory_space<hbm>> -> memref<128xi32, #tpu.memory_space<hbm>>
    %dma_wait3A_94 = arith.constant 0 : i32
    %dma_wait3A_95 = tpu.memref_slice %arg4[%mul3A_2, %dma_wait3A_94] : memref<2592x128xi32, #tpu.memory_space<hbm>> -> memref<1x128xi32, #tpu.memory_space<hbm>>
    %dma_wait3A_96 = tpu.memref_squeeze %dma_wait3A_95 : memref<1x128xi32, #tpu.memory_space<hbm>> -> memref<128xi32, #tpu.memory_space<hbm>>
    tpu.wait_dma2 semaphore(%arg20 : memref<!tpu.dma_semaphore, #tpu.memory_space<semaphore_mem>>) src(%dma_wait3A_96 : memref<128xi32, #tpu.memory_space<hbm>>) dst(%arg10 : memref<128xi32, #tpu.memory_space<vmem>>)
    %dma_start3A_97 = arith.constant 0 : i32
    %dma_start3A_98 = arith.constant 0 : i32
    %dma_start3A_99 = tpu.memref_slice %arg16[%dma_start3A_97, %dma_start3A_98] : memref<10112x128xf32, #tpu.memory_space<vmem_shared>> -> memref<10112x128xf32, #tpu.memory_space<vmem_shared>>
    tpu.enqueue_indirect_dma source(%arg13 : memref<128x128xf32, #tpu.memory_space<vmem>>) target(%dma_start3A_99 : memref<10112x128xf32, #tpu.memory_space<vmem_shared>>) offsets(%arg10 : memref<128xi32, #tpu.memory_space<vmem>>) semaphore(%arg26 : memref<!tpu.dma_semaphore, #tpu.memory_space<semaphore_mem>>) {add = true}
    %dma_wait3A_100 = arith.constant 0 : i32
    %dma_wait3A_101 = arith.constant 0 : i32
    %dma_wait3A_102 = tpu.memref_slice %arg2[%dma_wait3A_100, %dma_wait3A_101] : memref<10240x128xf32, #tpu.memory_space<hbm>> -> memref<10240x128xf32, #tpu.memory_space<hbm>>
    tpu.wait_indirect_dma semaphore(%arg24 : memref<!tpu.dma_semaphore, #tpu.memory_space<semaphore_mem>>) src(%dma_wait3A_102 : memref<10240x128xf32, #tpu.memory_space<hbm>>) dst(%arg14 : memref<128x128xf32, #tpu.memory_space<vmem>>)
    %dma_wait3A_103 = arith.constant 0 : i32
    %dma_wait3A_104 = tpu.memref_slice %arg4[%mul3A_2, %dma_wait3A_103] : memref<2592x128xi32, #tpu.memory_space<hbm>> -> memref<1x128xi32, #tpu.memory_space<hbm>>
    %dma_wait3A_105 = tpu.memref_squeeze %dma_wait3A_104 : memref<1x128xi32, #tpu.memory_space<hbm>> -> memref<128xi32, #tpu.memory_space<hbm>>
    %dma_wait3A_106 = arith.constant 0 : i32
    %dma_wait3A_107 = tpu.memref_slice %arg4[%mul3A_2, %dma_wait3A_106] : memref<2592x128xi32, #tpu.memory_space<hbm>> -> memref<1x128xi32, #tpu.memory_space<hbm>>
    %dma_wait3A_108 = tpu.memref_squeeze %dma_wait3A_107 : memref<1x128xi32, #tpu.memory_space<hbm>> -> memref<128xi32, #tpu.memory_space<hbm>>
    tpu.wait_dma2 semaphore(%arg21 : memref<!tpu.dma_semaphore, #tpu.memory_space<semaphore_mem>>) src(%dma_wait3A_108 : memref<128xi32, #tpu.memory_space<hbm>>) dst(%arg11 : memref<128xi32, #tpu.memory_space<vmem>>)
    %dma_start3A_109 = arith.constant 0 : i32
    %dma_start3A_110 = arith.constant 0 : i32
    %dma_start3A_111 = tpu.memref_slice %arg16[%dma_start3A_109, %dma_start3A_110] : memref<10112x128xf32, #tpu.memory_space<vmem_shared>> -> memref<10112x128xf32, #tpu.memory_space<vmem_shared>>
    tpu.enqueue_indirect_dma source(%arg14 : memref<128x128xf32, #tpu.memory_space<vmem>>) target(%dma_start3A_111 : memref<10112x128xf32, #tpu.memory_space<vmem_shared>>) offsets(%arg11 : memref<128xi32, #tpu.memory_space<vmem>>) semaphore(%arg27 : memref<!tpu.dma_semaphore, #tpu.memory_space<semaphore_mem>>) {add = true}
    %dma_wait3A_112 = arith.constant 0 : i32
    %dma_wait3A_113 = arith.constant 0 : i32
    %dma_wait3A_114 = tpu.memref_slice %arg2[%dma_wait3A_112, %dma_wait3A_113] : memref<10240x128xf32, #tpu.memory_space<hbm>> -> memref<10240x128xf32, #tpu.memory_space<hbm>>
    tpu.wait_indirect_dma semaphore(%arg25 : memref<!tpu.dma_semaphore, #tpu.memory_space<semaphore_mem>>) src(%dma_wait3A_114 : memref<10240x128xf32, #tpu.memory_space<hbm>>) dst(%arg15 : memref<128x128xf32, #tpu.memory_space<vmem>>)
    %dma_wait3A_115 = arith.constant 0 : i32
    %dma_wait3A_116 = tpu.memref_slice %arg4[%mul3A_2, %dma_wait3A_115] : memref<2592x128xi32, #tpu.memory_space<hbm>> -> memref<1x128xi32, #tpu.memory_space<hbm>>
    %dma_wait3A_117 = tpu.memref_squeeze %dma_wait3A_116 : memref<1x128xi32, #tpu.memory_space<hbm>> -> memref<128xi32, #tpu.memory_space<hbm>>
    %dma_wait3A_118 = arith.constant 0 : i32
    %dma_wait3A_119 = tpu.memref_slice %arg4[%mul3A_2, %dma_wait3A_118] : memref<2592x128xi32, #tpu.memory_space<hbm>> -> memref<1x128xi32, #tpu.memory_space<hbm>>
    %dma_wait3A_120 = tpu.memref_squeeze %dma_wait3A_119 : memref<1x128xi32, #tpu.memory_space<hbm>> -> memref<128xi32, #tpu.memory_space<hbm>>
    tpu.wait_dma2 semaphore(%arg22 : memref<!tpu.dma_semaphore, #tpu.memory_space<semaphore_mem>>) src(%dma_wait3A_120 : memref<128xi32, #tpu.memory_space<hbm>>) dst(%arg12 : memref<128xi32, #tpu.memory_space<vmem>>)
    %dma_start3A_121 = arith.constant 0 : i32
    %dma_start3A_122 = arith.constant 0 : i32
    %dma_start3A_123 = tpu.memref_slice %arg16[%dma_start3A_121, %dma_start3A_122] : memref<10112x128xf32, #tpu.memory_space<vmem_shared>> -> memref<10112x128xf32, #tpu.memory_space<vmem_shared>>
    tpu.enqueue_indirect_dma source(%arg15 : memref<128x128xf32, #tpu.memory_space<vmem>>) target(%dma_start3A_123 : memref<10112x128xf32, #tpu.memory_space<vmem_shared>>) offsets(%arg12 : memref<128xi32, #tpu.memory_space<vmem>>) semaphore(%arg28 : memref<!tpu.dma_semaphore, #tpu.memory_space<semaphore_mem>>) {add = true}
    %dma_wait3A_124 = arith.constant 0 : i32
    %dma_wait3A_125 = arith.constant 0 : i32
    %dma_wait3A_126 = tpu.memref_slice %arg16[%dma_wait3A_124, %dma_wait3A_125] : memref<10112x128xf32, #tpu.memory_space<vmem_shared>> -> memref<10112x128xf32, #tpu.memory_space<vmem_shared>>
    tpu.wait_indirect_dma semaphore(%arg26 : memref<!tpu.dma_semaphore, #tpu.memory_space<semaphore_mem>>) src(%arg13 : memref<128x128xf32, #tpu.memory_space<vmem>>) dst(%dma_wait3A_126 : memref<10112x128xf32, #tpu.memory_space<vmem_shared>>)
    %dma_wait3A_127 = arith.constant 0 : i32
    %dma_wait3A_128 = arith.constant 0 : i32
    %dma_wait3A_129 = tpu.memref_slice %arg16[%dma_wait3A_127, %dma_wait3A_128] : memref<10112x128xf32, #tpu.memory_space<vmem_shared>> -> memref<10112x128xf32, #tpu.memory_space<vmem_shared>>
    tpu.wait_indirect_dma semaphore(%arg27 : memref<!tpu.dma_semaphore, #tpu.memory_space<semaphore_mem>>) src(%arg14 : memref<128x128xf32, #tpu.memory_space<vmem>>) dst(%dma_wait3A_129 : memref<10112x128xf32, #tpu.memory_space<vmem_shared>>)
    %dma_wait3A_130 = arith.constant 0 : i32
    %dma_wait3A_131 = arith.constant 0 : i32
    %dma_wait3A_132 = tpu.memref_slice %arg16[%dma_wait3A_130, %dma_wait3A_131] : memref<10112x128xf32, #tpu.memory_space<vmem_shared>> -> memref<10112x128xf32, #tpu.memory_space<vmem_shared>>
    tpu.wait_indirect_dma semaphore(%arg28 : memref<!tpu.dma_semaphore, #tpu.memory_space<semaphore_mem>>) src(%arg15 : memref<128x128xf32, #tpu.memory_space<vmem>>) dst(%dma_wait3A_132 : memref<10112x128xf32, #tpu.memory_space<vmem_shared>>)
    %barrier3A_133 = arith.constant 0 : index
    tpu.barrier barrier_id(%barrier3A_133)
    %mul3A_134 = arith.constant 632 : i32
    %mul3A_135 = arith.muli %arg1, %mul3A_134 : i32
    %mul3A_136 = arith.constant 632 : i32
    %mul3A_137 = arith.muli %arg1, %mul3A_136 : i32
    "tpu.region"() ({
      %run_scoped3A = tpu.sem_alloc : memref<!tpu.dma_semaphore, #tpu.memory_space<semaphore_mem>>
      %dma_start3A_138 = arith.constant 0 : i32
      %dma_start3A_139 = tpu.memref_slice %arg6[%arg0, %mul3A_137, %dma_start3A_138] : memref<2x10240x128xf32, #tpu.memory_space<hbm>> -> memref<1x632x128xf32, #tpu.memory_space<hbm>>
      %dma_start3A_140 = tpu.memref_squeeze %dma_start3A_139 : memref<1x632x128xf32, #tpu.memory_space<hbm>> -> memref<632x128xf32, #tpu.memory_space<hbm>>
      %dma_start3A_141 = arith.constant 0 : i32
      %dma_start3A_142 = tpu.memref_slice %arg16[%mul3A_135, %dma_start3A_141] : memref<10112x128xf32, #tpu.memory_space<vmem_shared>> -> memref<632x128xf32, #tpu.memory_space<vmem_shared>>
      tpu.enqueue_dma source(%dma_start3A_142 : memref<632x128xf32, #tpu.memory_space<vmem_shared>>) target(%dma_start3A_140 : memref<632x128xf32, #tpu.memory_space<hbm>>) target_semaphore(%run_scoped3A : memref<!tpu.dma_semaphore, #tpu.memory_space<semaphore_mem>>)
      %dma_wait3A_143 = arith.constant 0 : i32
      %dma_wait3A_144 = tpu.memref_slice %arg6[%arg0, %mul3A_137, %dma_wait3A_143] : memref<2x10240x128xf32, #tpu.memory_space<hbm>> -> memref<1x632x128xf32, #tpu.memory_space<hbm>>
      %dma_wait3A_145 = tpu.memref_squeeze %dma_wait3A_144 : memref<1x632x128xf32, #tpu.memory_space<hbm>> -> memref<632x128xf32, #tpu.memory_space<hbm>>
      %dma_wait3A_146 = arith.constant 0 : i32
      %dma_wait3A_147 = tpu.memref_slice %arg16[%mul3A_135, %dma_wait3A_146] : memref<10112x128xf32, #tpu.memory_space<vmem_shared>> -> memref<632x128xf32, #tpu.memory_space<vmem_shared>>
      tpu.wait_dma2 semaphore(%run_scoped3A : memref<!tpu.dma_semaphore, #tpu.memory_space<semaphore_mem>>) src(%dma_wait3A_147 : memref<632x128xf32, #tpu.memory_space<vmem_shared>>) dst(%dma_wait3A_145 : memref<632x128xf32, #tpu.memory_space<hbm>>)
      tpu.yield
    }) : () -> ()
    return
  }
}

module attributes {stable_mosaic.version = 14 : i64} {
  func.func @_tc1_body(%arg0: i32, %arg1: memref<32x2048xf32, #tpu.memory_space<vmem>>, %arg2: memref<2048x128xf32, #tpu.memory_space<vmem>>, %arg3: memref<128x128xf32, #tpu.memory_space<vmem>>, %arg4: memref<2048x128xf32, #tpu.memory_space<vmem>>) attributes {dimension_semantics = [#tpu.dimension_semantics<arbitrary>], iteration_bounds = array<i64: 5>, scalar_prefetch = 0 : i64, scratch_operands = 0 : i64, tpu.core_type = #tpu.core_type<tc>, window_params = [{transform_indices = @transform_0, window_bounds = array<i64: 32, 2048>}, {transform_indices = @transform_1, window_bounds = array<i64: 2048, 128>}, {pipeline_mode = #tpu.pipeline_mode<synchronous>, transform_indices = @transform_2, window_bounds = array<i64: 128, 128>}, {transform_indices = @transform_3, window_bounds = array<i64: 2048, 128>}]} {
    %get3A = arith.constant 0 : index
    %get3A_0 = arith.constant 0 : index
    %get3A_1 = vector.load %arg1[%get3A, %get3A_0] : memref<32x2048xf32, #tpu.memory_space<vmem>>, vector<32x2048xf32>
    %reduce_sum3A = arith.constant dense<0.000000e+00> : vector<2048xf32>
    %reduce_sum3A_2 = vector.multi_reduction <add>, %get3A_1, %reduce_sum3A [0] : vector<32x2048xf32> to vector<2048xf32>
    %add3A = arith.constant 1.000000e+00 : f32
    %add3A_3 = vector.broadcast %add3A : f32 to vector<2048xf32>
    %add3A_4 = arith.addf %reduce_sum3A_2, %add3A_3 : vector<2048xf32>
    %rsqrt3A = math.rsqrt %add3A_4 : vector<2048xf32>
    %get3A_5 = arith.constant 0 : index
    %get3A_6 = arith.constant 0 : index
    %get3A_7 = vector.load %arg2[%get3A_5, %get3A_6] : memref<2048x128xf32, #tpu.memory_space<vmem>>, vector<2048x128xf32>
    %get3A_8 = arith.constant 0 : index
    %get3A_9 = arith.constant 0 : index
    %get3A_10 = vector.load %arg3[%get3A_8, %get3A_9] : memref<128x128xf32, #tpu.memory_space<vmem>>, vector<128x128xf32>
    %dot_general3A = arith.constant dense<0.000000e+00> : vector<2048x128xf32>
    %dot_general3A_11 = tpu.matmul %get3A_7, %get3A_10, %dot_general3A {dimension_numbers = #tpu.dot_dimension_numbers<[1], [0], [0], [1], [0, 0, 1, 1], [], []>, transpose_lhs_hint = false} : vector<2048x128xf32>, vector<128x128xf32>, vector<2048x128xf32> -> vector<2048x128xf32>
    %broadcast_in_dim3A = vector.shape_cast %rsqrt3A : vector<2048xf32> to vector<2048x1xf32>
    %mul3A = vector.broadcast %broadcast_in_dim3A : vector<2048x1xf32> to vector<2048x128xf32>
    %mul3A_12 = arith.mulf %dot_general3A_11, %mul3A : vector<2048x128xf32>
    %swap3A = arith.constant 0 : index
    %swap3A_13 = arith.constant 0 : index
    %swap3A_14 = vector.load %arg4[%swap3A, %swap3A_13] : memref<2048x128xf32, #tpu.memory_space<vmem>>, vector<2048x128xf32>
    tpu.vector_store %arg4[%swap3A, %swap3A_13], %mul3A_12 {strides = array<i32>} : memref<2048x128xf32, #tpu.memory_space<vmem>>, vector<2048x128xf32>,
    return
  }
  func.func @transform_0(%arg0: i32) -> (i32, i32) {
    %c0_i32 = arith.constant 0 : i32
    %c0_i32_0 = arith.constant 0 : i32
    return %c0_i32, %arg0 : i32, i32
  }
  func.func @transform_1(%arg0: i32) -> (i32, i32) {
    %c0_i32 = arith.constant 0 : i32
    %c0_i32_0 = arith.constant 0 : i32
    return %arg0, %c0_i32 : i32, i32
  }
  func.func @transform_2(%arg0: i32) -> (i32, i32) {
    %c0_i32 = arith.constant 0 : i32
    %c0_i32_0 = arith.constant 0 : i32
    %c0_i32_1 = arith.constant 0 : i32
    return %c0_i32, %c0_i32_0 : i32, i32
  }
  func.func @transform_3(%arg0: i32) -> (i32, i32) {
    %c0_i32 = arith.constant 0 : i32
    %c0_i32_0 = arith.constant 0 : i32
    return %arg0, %c0_i32 : i32, i32
  }
}

module attributes {stable_mosaic.version = 14 : i64} {
  func.func @_tc2_body(%arg0: i32, %arg1: memref<32x2048xf32, #tpu.memory_space<vmem>>, %arg2: memref<2x2048x128xf32, #tpu.memory_space<vmem>>, %arg3: memref<2048x128xf32, #tpu.memory_space<vmem>>, %arg4: memref<128xf32, #tpu.memory_space<vmem>>, %arg5: memref<128x128xf32, #tpu.memory_space<vmem>>, %arg6: memref<2048x128xf32, #tpu.memory_space<vmem>>) attributes {dimension_semantics = [#tpu.dimension_semantics<arbitrary>], iteration_bounds = array<i64: 5>, scalar_prefetch = 0 : i64, scratch_operands = 0 : i64, tpu.core_type = #tpu.core_type<tc>, window_params = [{transform_indices = @transform_0, window_bounds = array<i64: 32, 2048>}, {transform_indices = @transform_1, window_bounds = array<i64: 2, 2048, 128>}, {transform_indices = @transform_2, window_bounds = array<i64: 2048, 128>}, {pipeline_mode = #tpu.pipeline_mode<synchronous>, transform_indices = @transform_3, window_bounds = array<i64: 128>}, {pipeline_mode = #tpu.pipeline_mode<synchronous>, transform_indices = @transform_4, window_bounds = array<i64: 128, 128>}, {transform_indices = @transform_5, window_bounds = array<i64: 2048, 128>}]} {
    %get3A = arith.constant 0 : index
    %get3A_0 = arith.constant 0 : index
    %get3A_1 = vector.load %arg1[%get3A, %get3A_0] : memref<32x2048xf32, #tpu.memory_space<vmem>>, vector<32x2048xf32>
    %reduce_sum3A = arith.constant dense<0.000000e+00> : vector<2048xf32>
    %reduce_sum3A_2 = vector.multi_reduction <add>, %get3A_1, %reduce_sum3A [0] : vector<32x2048xf32> to vector<2048xf32>
    %add3A = arith.constant 1.000000e+00 : f32
    %add3A_3 = vector.broadcast %add3A : f32 to vector<2048xf32>
    %add3A_4 = arith.addf %reduce_sum3A_2, %add3A_3 : vector<2048xf32>
    %rsqrt3A = math.rsqrt %add3A_4 : vector<2048xf32>
    %broadcast_in_dim3A = vector.shape_cast %rsqrt3A : vector<2048xf32> to vector<2048x1xf32>
    %get3A_5 = arith.constant 0 : index
    %get3A_6 = arith.constant 0 : index
    %get3A_7 = arith.constant 0 : index
    %get3A_8 = vector.load %arg2[%get3A_5, %get3A_6, %get3A_7] : memref<2x2048x128xf32, #tpu.memory_space<vmem>>, vector<1x2048x128xf32>
    %get3A_9 = vector.shape_cast %get3A_8 : vector<1x2048x128xf32> to vector<2048x128xf32>
    %get3A_10 = arith.constant 1 : index
    %get3A_11 = arith.constant 0 : index
    %get3A_12 = arith.constant 0 : index
    %get3A_13 = vector.load %arg2[%get3A_10, %get3A_11, %get3A_12] : memref<2x2048x128xf32, #tpu.memory_space<vmem>>, vector<1x2048x128xf32>
    %get3A_14 = vector.shape_cast %get3A_13 : vector<1x2048x128xf32> to vector<2048x128xf32>
    %add3A_15 = arith.addf %get3A_9, %get3A_14 : vector<2048x128xf32>
    %get3A_16 = arith.constant 0 : index
    %get3A_17 = arith.constant 0 : index
    %get3A_18 = vector.load %arg3[%get3A_16, %get3A_17] : memref<2048x128xf32, #tpu.memory_space<vmem>>, vector<2048x128xf32>
    %add3A_19 = arith.addf %add3A_15, %get3A_18 : vector<2048x128xf32>
    %mul3A = vector.broadcast %broadcast_in_dim3A : vector<2048x1xf32> to vector<2048x128xf32>
    %mul3A_20 = arith.mulf %mul3A, %add3A_19 : vector<2048x128xf32>
    %get3A_21 = arith.constant 0 : index
    %get3A_22 = vector.load %arg4[%get3A_21] : memref<128xf32, #tpu.memory_space<vmem>>, vector<128xf32>
    %broadcast_in_dim3A_23 = vector.shape_cast %get3A_22 : vector<128xf32> to vector<1x128xf32>
    %add3A_24 = vector.broadcast %broadcast_in_dim3A_23 : vector<1x128xf32> to vector<2048x128xf32>
    %add3A_25 = arith.addf %mul3A_20, %add3A_24 : vector<2048x128xf32>
    %max3A = arith.constant 0.000000e+00 : f32
    %max3A_26 = vector.broadcast %max3A : f32 to vector<2048x128xf32>
    %max3A_27 = arith.maximumf %add3A_25, %max3A_26 : vector<2048x128xf32>
    %get3A_28 = arith.constant 0 : index
    %get3A_29 = arith.constant 0 : index
    %get3A_30 = vector.load %arg5[%get3A_28, %get3A_29] : memref<128x128xf32, #tpu.memory_space<vmem>>, vector<128x128xf32>
    %dot_general3A = arith.constant dense<0.000000e+00> : vector<2048x128xf32>
    %dot_general3A_31 = tpu.matmul %max3A_27, %get3A_30, %dot_general3A {dimension_numbers = #tpu.dot_dimension_numbers<[1], [0], [0], [1], [0, 0, 1, 1], [], []>, transpose_lhs_hint = false} : vector<2048x128xf32>, vector<128x128xf32>, vector<2048x128xf32> -> vector<2048x128xf32>
    %broadcast_in_dim3A_32 = vector.shape_cast %rsqrt3A : vector<2048xf32> to vector<2048x1xf32>
    %mul3A_33 = vector.broadcast %broadcast_in_dim3A_32 : vector<2048x1xf32> to vector<2048x128xf32>
    %mul3A_34 = arith.mulf %dot_general3A_31, %mul3A_33 : vector<2048x128xf32>
    %swap3A = arith.constant 0 : index
    %swap3A_35 = arith.constant 0 : index
    %swap3A_36 = vector.load %arg6[%swap3A, %swap3A_35] : memref<2048x128xf32, #tpu.memory_space<vmem>>, vector<2048x128xf32>
    tpu.vector_store %arg6[%swap3A, %swap3A_35], %mul3A_34 {strides = array<i32>} : memref<2048x128xf32, #tpu.memory_space<vmem>>, vector<2048x128xf32>,
    return
  }
  func.func @transform_0(%arg0: i32) -> (i32, i32) {
    %c0_i32 = arith.constant 0 : i32
    %c0_i32_0 = arith.constant 0 : i32
    return %c0_i32, %arg0 : i32, i32
  }
  func.func @transform_1(%arg0: i32) -> (i32, i32, i32) {
    %c0_i32 = arith.constant 0 : i32
    %c0_i32_0 = arith.constant 0 : i32
    %c0_i32_1 = arith.constant 0 : i32
    return %c0_i32, %arg0, %c0_i32_0 : i32, i32, i32
  }
  func.func @transform_2(%arg0: i32) -> (i32, i32) {
    %c0_i32 = arith.constant 0 : i32
    %c0_i32_0 = arith.constant 0 : i32
    return %arg0, %c0_i32 : i32, i32
  }
  func.func @transform_3(%arg0: i32) -> i32 {
    %c0_i32 = arith.constant 0 : i32
    %c0_i32_0 = arith.constant 0 : i32
    return %c0_i32 : i32
  }
  func.func @transform_4(%arg0: i32) -> (i32, i32) {
    %c0_i32 = arith.constant 0 : i32
    %c0_i32_0 = arith.constant 0 : i32
    %c0_i32_1 = arith.constant 0 : i32
    return %c0_i32, %c0_i32_0 : i32, i32
  }
  func.func @transform_5(%arg0: i32) -> (i32, i32) {
    %c0_i32 = arith.constant 0 : i32
    %c0_i32_0 = arith.constant 0 : i32
    return %arg0, %c0_i32 : i32, i32
  }
}

module attributes {stable_mosaic.version = 14 : i64} {
  func.func @_tc3_body(%arg0: i32, %arg1: memref<32x2048xf32, #tpu.memory_space<vmem>>, %arg2: memref<2x2048x128xf32, #tpu.memory_space<vmem>>, %arg3: memref<2048x128xf32, #tpu.memory_space<vmem>>, %arg4: memref<128xf32, #tpu.memory_space<vmem>>, %arg5: memref<2048x128xf32, #tpu.memory_space<vmem>>) attributes {dimension_semantics = [#tpu.dimension_semantics<arbitrary>], iteration_bounds = array<i64: 5>, scalar_prefetch = 0 : i64, scratch_operands = 0 : i64, tpu.core_type = #tpu.core_type<tc>, window_params = [{transform_indices = @transform_0, window_bounds = array<i64: 32, 2048>}, {transform_indices = @transform_1, window_bounds = array<i64: 2, 2048, 128>}, {transform_indices = @transform_2, window_bounds = array<i64: 2048, 128>}, {pipeline_mode = #tpu.pipeline_mode<synchronous>, transform_indices = @transform_3, window_bounds = array<i64: 128>}, {transform_indices = @transform_4, window_bounds = array<i64: 2048, 128>}]} {
    %get3A = arith.constant 0 : index
    %get3A_0 = arith.constant 0 : index
    %get3A_1 = vector.load %arg1[%get3A, %get3A_0] : memref<32x2048xf32, #tpu.memory_space<vmem>>, vector<32x2048xf32>
    %reduce_sum3A = arith.constant dense<0.000000e+00> : vector<2048xf32>
    %reduce_sum3A_2 = vector.multi_reduction <add>, %get3A_1, %reduce_sum3A [0] : vector<32x2048xf32> to vector<2048xf32>
    %add3A = arith.constant 1.000000e+00 : f32
    %add3A_3 = vector.broadcast %add3A : f32 to vector<2048xf32>
    %add3A_4 = arith.addf %reduce_sum3A_2, %add3A_3 : vector<2048xf32>
    %rsqrt3A = math.rsqrt %add3A_4 : vector<2048xf32>
    %broadcast_in_dim3A = vector.shape_cast %rsqrt3A : vector<2048xf32> to vector<2048x1xf32>
    %get3A_5 = arith.constant 0 : index
    %get3A_6 = arith.constant 0 : index
    %get3A_7 = arith.constant 0 : index
    %get3A_8 = vector.load %arg2[%get3A_5, %get3A_6, %get3A_7] : memref<2x2048x128xf32, #tpu.memory_space<vmem>>, vector<1x2048x128xf32>
    %get3A_9 = vector.shape_cast %get3A_8 : vector<1x2048x128xf32> to vector<2048x128xf32>
    %get3A_10 = arith.constant 1 : index
    %get3A_11 = arith.constant 0 : index
    %get3A_12 = arith.constant 0 : index
    %get3A_13 = vector.load %arg2[%get3A_10, %get3A_11, %get3A_12] : memref<2x2048x128xf32, #tpu.memory_space<vmem>>, vector<1x2048x128xf32>
    %get3A_14 = vector.shape_cast %get3A_13 : vector<1x2048x128xf32> to vector<2048x128xf32>
    %add3A_15 = arith.addf %get3A_9, %get3A_14 : vector<2048x128xf32>
    %get3A_16 = arith.constant 0 : index
    %get3A_17 = arith.constant 0 : index
    %get3A_18 = vector.load %arg3[%get3A_16, %get3A_17] : memref<2048x128xf32, #tpu.memory_space<vmem>>, vector<2048x128xf32>
    %add3A_19 = arith.addf %add3A_15, %get3A_18 : vector<2048x128xf32>
    %mul3A = vector.broadcast %broadcast_in_dim3A : vector<2048x1xf32> to vector<2048x128xf32>
    %mul3A_20 = arith.mulf %mul3A, %add3A_19 : vector<2048x128xf32>
    %get3A_21 = arith.constant 0 : index
    %get3A_22 = vector.load %arg4[%get3A_21] : memref<128xf32, #tpu.memory_space<vmem>>, vector<128xf32>
    %broadcast_in_dim3A_23 = vector.shape_cast %get3A_22 : vector<128xf32> to vector<1x128xf32>
    %add3A_24 = vector.broadcast %broadcast_in_dim3A_23 : vector<1x128xf32> to vector<2048x128xf32>
    %add3A_25 = arith.addf %mul3A_20, %add3A_24 : vector<2048x128xf32>
    %swap3A = arith.constant 0 : index
    %swap3A_26 = arith.constant 0 : index
    %swap3A_27 = vector.load %arg5[%swap3A, %swap3A_26] : memref<2048x128xf32, #tpu.memory_space<vmem>>, vector<2048x128xf32>
    tpu.vector_store %arg5[%swap3A, %swap3A_26], %add3A_25 {strides = array<i32>} : memref<2048x128xf32, #tpu.memory_space<vmem>>, vector<2048x128xf32>,
    return
  }
  func.func @transform_0(%arg0: i32) -> (i32, i32) {
    %c0_i32 = arith.constant 0 : i32
    %c0_i32_0 = arith.constant 0 : i32
    return %c0_i32, %arg0 : i32, i32
  }
  func.func @transform_1(%arg0: i32) -> (i32, i32, i32) {
    %c0_i32 = arith.constant 0 : i32
    %c0_i32_0 = arith.constant 0 : i32
    %c0_i32_1 = arith.constant 0 : i32
    return %c0_i32, %arg0, %c0_i32_0 : i32, i32, i32
  }
  func.func @transform_2(%arg0: i32) -> (i32, i32) {
    %c0_i32 = arith.constant 0 : i32
    %c0_i32_0 = arith.constant 0 : i32
    return %arg0, %c0_i32 : i32, i32
  }
  func.func @transform_3(%arg0: i32) -> i32 {
    %c0_i32 = arith.constant 0 : i32
    %c0_i32_0 = arith.constant 0 : i32
    return %c0_i32 : i32
  }
  func.func @transform_4(%arg0: i32) -> (i32, i32) {
    %c0_i32 = arith.constant 0 : i32
    %c0_i32_0 = arith.constant 0 : i32
    return %arg0, %c0_i32 : i32, i32
  }
}

</mosaic_0001>

<sc_bundles>
// kernel: kernel.11.cloned.1.call-start
scs
__scs_entry_jumppad:
0x0: {  	(pc) =	sbr.rel $0x88, $3  }
0x1: {  	(tag) =	ssettag $0x0;
	lr =	simm.s32 $0x1  }
0x2: {  	[smem:$0x3F9B] =	sst lr;
	_ =	strace $0xD0000000  }
0x3: {  	_ = 	snop  }
0x4: {  	_ = 	snop  }
0x5: {  	_ = 	snop  }
0x6: {  	_ = 	snop  }
0x7: {  	_ = 	snop  }
__scs_overlays_trampoline_lowered:
0x8: {  	[smem:$0x3FAA] =	sst s0  }
0x9: {  	[smem:$0x3FAB] =	sst s1  }
0xa: {  	[smem:$0x3FAC] =	sst s2  }
0xb: {  	[smem:$0x3FAD] =	sst s3  }
0xc: {  	[smem:$0x3FAE] =	sst s4  }
0xd: {  	[smem:$0x3FAF] =	sst s5  }
0xe: {  	[smem:$0x3FB0] =	sst s6  }
0xf: {  	[smem:$0x3FB1] =	sst s7  }
0x10: {  	[smem:$0x3FB2] =	sst s8  }
0x11: {  	[smem:$0x3FB3] =	sst s9;
	s0 =	simm.s32 @!p0 $0x0  }
0x12: {  	s1 =	sld [smem:$0x3F99];
	s0 =	simm.s32 @p0 $0x1  }
0x13: {  	[smem:$0x3FB4] =	sst s0;
	s0 =	simm.s32 @!p1 $0x0  }
0x14: {  	s2 =	sld [smem:$0x3F98];
	s0 =	simm.s32 @p1 $0x1  }
0x15: {  	[smem:$0x3FB5] =	sst s0;
	s0 =	simm.s32 @!p2 $0x0  }
0x16: {  	s3 =	sld [smem:$0x3FDB];
	s0 =	simm.s32 @p2 $0x1  }
0x17: {  	s4 =	simm.s32 $0x1BF5;
	[smem:$0x3FB7] =	sst s0  }
0x18: {  	s0 =	sld [smem:$0x3F9A];
	_ =	swait.ge [sflag:s4], $0x0  }
0x19: {  	s7 =	sld [smem:$0x3F9B]  }
0x1a: {  	s8 =	sadd.s32 $0xFFFFE003, lr  }
0x1b: {  	s9 =	sadd.s32 $0xFFFFFEF7, lr;
	s5 =	simm.s32 $0xFFFFFFFF;
	p2 =	slt.u32 s8, $0xFFFFF086  }
0x1c: {  	p1 =	slt.u32 s9, $0xF7A;
	s5 =	simm.s32 @!p2 $0x0  }
0x1d: {  	s5 =	simm.s32 @p1 $0x1;
	p0 =	seq.s32 s7, s2  }
0x1e: {  	s7 =	smul.u32 @!p0 $0xF7A, s2;
	p2 =	seq.s32 @!p0 s5, $0x0  }
0x1f: {  	s9 =	smul.u32 $0xF7A, s1;
	s8 =	simm.s32 @!p0 $0x1BF5;
	p2 =	por !p2, p0  }
0x20: {  	[sflag:s8] =	ssyncset.s32 @!p0 $0xFFFFF086;
	s6 =	sadd.s32 @!p0 s3, s7;
	s7 =	simm.s32 @!p0 $0x108  }
0x21: {  	s3 =	sadd.s32 s3, s9;
	s6 =	sadd.s32 @!p0 $0x88, s6;
	s7 =	simm.s32 @p2 $0x1082  }
0x22: {  	[simem:s7], [sflag:s8] =	dma.local @!p0 [hbm:s6], $0xF7A  }
0x23: {  	s9 =	sor.u32 $0xD0000000, s2;
	s6 =	simm.s32 $0x108;
	_ =	swait.ge @!p0 [sflag:s8], $0x0  }
0x24: {  	s3 =	sadd.s32 $0x88, s3;
	s6 =	simm.s32 @!p1 $0x1082;
	[sflag:s4] =	ssyncset.s32 $0xFFFFF086  }
0x25: {  	[simem:s6], [sflag:s4] =	dma.local [hbm:s3], $0xF7A  }
0x26: {  	[smem:$0x3F9B] =	sst s1;
	(tag) =	ssettag s2;
	_ =	strace s9  }
0x27: {  	s1 =	sld [smem:$0x3FAB]  }
0x28: {  	s2 =	sld [smem:$0x3FAC]  }
0x29: {  	s4 =	sld [smem:$0x3FAE]  }
0x2a: {  	p0 =	seq.s32 s5, $0x0;
	s5 =	sld [smem:$0x3FAF]  }
0x2b: {  	s6 =	sld [smem:$0x3FB0]  }
0x2c: {  	s7 =	sld [smem:$0x3FB1]  }
0x2d: {  	s3 =	simm.s32 $0x108;
	s8 =	sld [smem:$0x3FB2]  }
0x2e: {  	s3 =	simm.s32 @!p0 $0x1082;
	s9 =	sld [smem:$0x3FB3]  }
0x2f: {  	lr =	sadd.s32 s0, s3;
	s0 =	sld [smem:$0x3FAA]  }
0x30: {  	s3 =	sld [smem:$0x3FAD]  }
0x31: {  	[smem:$0x3FB6] =	sst s10  }
0x32: {  	s10 =	sld [smem:$0x3FB4];
	_ =	sdelay $0x3  }
0x33: {  	p0 =	seq.s32 s10, $0x1;
	s10 =	sld [smem:$0x3FB6];
	_ =	sdelay $0x3  }
0x34: {  	[smem:$0x3FB6] =	sst s10  }
0x35: {  	s10 =	sld [smem:$0x3FB5];
	_ =	sdelay $0x3  }
0x36: {  	p1 =	seq.s32 s10, $0x1;
	s10 =	sld [smem:$0x3FB6];
	_ =	sdelay $0x3  }
0x37: {  	[smem:$0x3FB6] =	sst s10  }
0x38: {  	s10 =	sld [smem:$0x3FB7]  }
0x39: {  	_ = 	snop;
	(pc) =	sbr.ind lr, $3  }
0x3a: {  	_ = 	snop  }
0x3b: {  	_ = 	snop  }
0x3c: {  	p2 =	seq.s32 s10, $0x1;
	s10 =	sld [smem:$0x3FB6]  }
0x3d: {  	_ =	shalt  }
0x3e: {  	_ =	shalt  }
0x3f: {  	_ =	shalt  }
0x40: {  	_ =	shalt  }
0x41: {  	_ =	shalt  }
0x42: {  	_ =	shalt  }
0x43: {  	_ =	shalt  }
0x44: {  	_ =	shalt  }
0x45: {  	_ =	shalt  }
0x46: {  	_ =	shalt  }
0x47: {  	_ =	shalt  }
0x48: {  	_ =	shalt  }
0x49: {  	_ =	shalt  }
0x4a: {  	_ =	shalt  }
0x4b: {  	_ =	shalt  }
0x4c: {  	_ =	shalt  }
0x4d: {  	_ =	shalt  }
0x4e: {  	_ =	shalt  }
0x4f: {  	_ =	shalt  }
0x50: {  	_ =	shalt  }
0x51: {  	_ =	shalt  }
0x52: {  	_ =	shalt  }
0x53: {  	_ =	shalt  }
0x54: {  	_ =	shalt  }
0x55: {  	_ =	shalt  }
0x56: {  	_ =	shalt  }
0x57: {  	_ =	shalt  }
0x58: {  	_ =	shalt  }
0x59: {  	_ =	shalt  }
0x5a: {  	_ =	shalt  }
0x5b: {  	_ =	shalt  }
0x5c: {  	_ =	shalt  }
0x5d: {  	_ =	shalt  }
0x5e: {  	_ =	shalt  }
0x5f: {  	_ =	shalt  }
0x60: {  	_ =	shalt  }
0x61: {  	_ =	shalt  }
0x62: {  	_ =	shalt  }
0x63: {  	_ =	shalt  }
0x64: {  	_ =	shalt  }
0x65: {  	_ =	shalt  }
0x66: {  	_ =	shalt  }
0x67: {  	_ =	shalt  }
0x68: {  	_ =	shalt  }
0x69: {  	_ =	shalt  }
0x6a: {  	_ =	shalt  }
0x6b: {  	_ =	shalt  }
0x6c: {  	_ =	shalt  }
0x6d: {  	_ =	shalt  }
0x6e: {  	_ =	shalt  }
0x6f: {  	_ =	shalt  }
0x70: {  	_ =	shalt  }
0x71: {  	_ =	shalt  }
0x72: {  	_ =	shalt  }
0x73: {  	_ =	shalt  }
0x74: {  	_ =	shalt  }
0x75: {  	_ =	shalt  }
0x76: {  	_ =	shalt  }
0x77: {  	_ =	shalt  }
0x78: {  	_ =	shalt  }
0x79: {  	_ =	shalt  }
0x7a: {  	_ =	shalt  }
0x7b: {  	_ =	shalt  }
0x7c: {  	_ =	shalt  }
0x7d: {  	_ =	shalt  }
0x7e: {  	_ =	shalt  }
0x7f: {  	_ =	shalt  }
0x80: {  	_ =	shalt  }
0x81: {  	_ =	shalt  }
0x82: {  	_ =	shalt  }
0x83: {  	_ =	shalt  }
0x84: {  	_ =	shalt  }
0x85: {  	_ =	shalt  }
0x86: {  	_ =	shalt  }
0x87: {  	_ =	shalt  }
.Lfunc_end0:
.L_simem_size_0:
called_computation.1_lowered:
.L_overlay_start_0:
0x88: {  	s2 =	sld [smem:$0x3FD9]  }
0x89: {  	s3 =	sld [smem:$0x3FFE];
	_ =	sdelay $0x1  }
0x8a: {  	s1 =	srdreg.scid  }
0x8b: {  	s0 =	sand.u32 $0x1, s1  }
0x8c: {  	s17 =	sshll.u32 s0, $0xA;
	s2 =	sadd.s32 s3, s2  }
0x8d: {  	s2 =	sadd.s32 s2, s17  }
0x8e: {  	[smem:$0x3FC2] =	sst s2  }
0x8f: {  	_ = 	snop  }
0x90: {  	s2 =	sld [smem:$0x3FD0];
	(tm) =	ssettm $0x1  }
0x91: {  	s18 =	sld [smem:$0x3FFB];
	_ =	sdelay $0x3  }
0x92: {  	_ =	strace s18  }
0x93: {  	s3 =	sld [smem:$0x3FFC];
	_ =	sdelay $0x3  }
0x94: {  	_ =	strace s3  }
0x95: {  	s3 =	sld [smem:$0x3FFD];
	_ =	sdelay $0x3  }
0x96: {  	_ =	strace s3  }
0x97: {  	_ =	strace $0x8FFFFFFF  }
0x98: {  	s19 =	sld [smem:$0x3FDB];
	_ =	sdelay $0x1  }
0x99: {  	s4 =	simm.s32 $_scs_section_size  }
0x9a: {  	s5 =	simm.s32 $_size__tile_overlayer_lowered;
	s6 =	simm.s32 $_tile_overlayer_lowered  }
0x9b: {  	s22 =	simm.s32 $0x1BFF;
	s21 =	sshll.u32 s6, $0x1;
	s3 =	sadd.s32 s4, s19  }
0x9c: {  	s7 =	simm.s32 $0x0;
	s20 =	sshll.u32 s5, $0x1;
	s5 =	sadd.s32 s21, s3  }
0x9d: {  	[timem:s7], [sflag:s22] =	dma.local [hbm:s5], s20  }
0x9e: {  	_ =	swait.ge [sflag:s22], s20  }
0x9f: {  	s4 =	ssub.s32 $0x0, s20;
	[sflag:s22] =	ssyncset.done $0x0  }
0xa0: {  	[sflag:s22] =	ssyncadd.s32 s4;
	_ =	sdelay $0x1  }
0xa1: {  	s23 =	simm.s32 $0x1B8B  }
0xa2: {  	_ =	swait.ge [sflag:s23], $0x1  }
0xa3: {  	[sflag:s23] =	ssyncset.done $0x0  }
0xa4: {  	s25 =	simm.s32 $0x1B8E;
	s24 =	sld [smem:$0x3FFE];
	[sflag:s23] =	ssyncadd.s32 $0xFFFFFFFF  }
0xa5: {  	s26 =	simm.s32 $execute0_lowered;
	[smem:$0x3FD2] =	sst s25  }
0xa6: {  	s5 =	sshll.u32 s26, $0x1;
	_ =	strace $0x80000049;
	[dreg:$0x1] =	wrdreg $0xFFFFFFFF  }
0xa7: {  	s28 =	simm.s32 $_size_execute0_lowered;
	s3 =	sadd.s32 s3, s5;
	[dreg:$0x0] =	wrdreg $0x0  }
0xa8: {  	s5 =	sshll.u32 s28, $0x1;
	[dreg:$0x2] =	wrdreg s3  }
0xa9: {  	[dreg:$0x3] =	wrdreg s5  }
0xaa: {  	[dreg:$0x4] =	wrdreg $0xC0  }
0xab: {  	_ =	task [dreg:s7], $0x5FFFF  }
0xac: {  	[dreg:$0x1] =	wrdreg $0xFFFFFFFF  }
0xad: {  	[dreg:$0x0] =	wrdreg $0x60  }
0xae: {  	[dreg:$0x2] =	wrdreg s24  }
0xaf: {  	[dreg:$0x3] =	wrdreg s2  }
0xb0: {  	[dreg:$0x4] =	wrdreg $0xC3000  }
0xb1: {  	[dreg:$0x5] =	wrdreg $0x9  }
0xb2: {  	_ =	task.clear_ibuf [dreg:s7], $0x6FFFF;
	_ =	strace $0x90000049  }
0xb3: {  	s29 =	simm.s32 $0x9;
	_ =	strace $0x8000004B  }
0xb4: {  	_ =	swait.ge [sflag:s29], $0x1  }
0xb5: {  	[sflag:s29] =	ssyncadd.s32 $0xFFFFFFFF  }
0xb6: {  	_ =	strace $0x9000004B  }
0xb7: {  	_ =	sfence  }
0xb8: {  	s30 =	sld [smem:$0x0];
	_ =	sdelay $0x2  }
0xb9: {  	s31 =	sshll.u32 s1, $0xD;
	s1 =	sshrl.u32 s1, $0x2  }
0xba: {  	s3 =	sand.u32 $0x4000, s31;
	s1 =	sadd.s32 s1, s30  }
0xbb: {  	s0 =	sor.u32 s3, s0;
	s1 =	sshll.u32 s1, $0x11  }
0xbc: {  	s0 =	sor.u32 s1, s0  }
0xbd: {  	s0 =	sadd.s32 $0x8F2B, s0  }
0xbe: {  	[sflag:s0] =	ssyncadd.remote.s32 $0x1  }
0xbf: {  	_ =	sfence.sel $0xFFFF  }
0xc0: {  	[dreg:$0x0] =	wrdreg $0xFFFFFFFF;
	(pc) =	sbr.abs _section_cstart, $3  }
0xc1: {  	[dreg:$0x1] =	wrdreg $0xFFFFFFFF  }
0xc2: {  	_ =	task.clear_ibuf [dreg:s7], $0x2FFFF;
	_ =	strace $0x9FFFFFFF  }
0xc3: {  	(tm) =	ssettm $0x7FFFFFFF  }
tec
execute0_lowered:
.L_overlay_start_1:
0x0: {  	(tag) =	ssettag $0x1  }
0x1: {  	s0 =	rddreg [dreg:$0x0]  }
0x2: {  	s2 =	rddreg [dreg:$0x2];
	s1 =	srdreg.scid;
	s4 =	simm.s32 $0x0  }
0x3: {  	s12 =	stileid.u32;
	s28 =	simm.s32 $0x8300;
	s29 =	simm.s32 $0x7  }
0x4: {  	s30 =	simm.s32 $0x4;
	s31 =	simm.s32 $0x8;
	s1 =	sand.u32 $0x1, s1  }
0x5: {  	[smem:$0x7FF] =	sst s4;
	s6 =	smul.u32 $0x13C00, s12;
	s5 =	sadd.s32 $0x21600, s0  }
0x6: {  	s8 =	sadd.s32 $0xD200, s0;
	s14 =	sadd.s32 $0x17400, s0;
	s19 =	smul.u32 $0x4F000, s12  }
0x7: {  	s9 =	sshll.u32 s12, $0x7;
	s22 =	smul.u32 $0x510, s12;
	s23 =	sshll.u32 s12, $0x6  }
0x8: {  	s3 =	smul.u32 $0x140000, s1;
	s7 =	sshll.u32 s1, $0x4;
	_ =	strace $0x8000004A  }
0x9: {  	s10 =	ssub.s32 $0x2, s1;
	s1 =	smul.u32 $0x5100, s1;
	s7 =	sor.u32 s12, s7  }
0xa: {  	s9 =	sand.u32 $0x380, s9;
	s15 =	sshrl.u32 s10, $0x1;
	s13 =	smul.u32 $0x2880, s7  }
0xb: {  	s21 =	sshrl.u32 s19, $0x2;
	s19 =	simm.s32 $0x100;
	s3 =	sadd.s32 s6, s3  }
0xc: {  	s7 =	simm.s32 $0xB;
	s3 =	sshrl.u32 s3, $0x3;
	s11 =	sand.u32 $0x7FC00, s13  }
0xd: {  	s0 =	sadd.s32 s3, s0;
	s3 =	ssub.s32 s10, s15;
	s6 =	sshrl.u32 s13, $0x3  }
0xe: {  	s13 =	sor.u32 $0x1C0D, s23;
	s23 =	simm.s32 $0x300;
	s9 =	sor.u32 s9, s11  }
0xf: {  	s17 =	sadd.s32 $0x10, s6;
	s6 =	sadd.s32 $0x20, s6;
	s0 =	sadd.s32 $0x49600, s0  }
0x10: {  	s26 =	smax.u32 s3, $0x1;
	s3 =	simm.s32 $0x9;
	[dreg:$0xd] =	wrdreg s0  }
0x11: {  	s9 =	sshrl.u32 s9, $0x3;
	s18 =	sadd.s32 s8, s17;
	[dreg:$0xe] =	wrdreg s26  }
0x12: {  	s20 =	sadd.s32 s8, s6;
	s6 =	sadd.s32 s14, s6;
	[dreg:$0x8] =	wrdreg s18  }
0x13: {  	s26 =	simm.s32 $0x3;
	s0 =	simm.s32 $0x5;
	[dreg:$0xa] =	wrdreg s20  }
0x14: {  	s16 =	sadd.s32 s8, s9;
	s9 =	sadd.s32 s14, s9;
	[dreg:$0xb] =	wrdreg s6  }
0x15: {  	s6 =	sadd.s32 s21, s2;
	s8 =	sadd.s32 s1, s8;
	s1 =	sadd.s32 s1, s14  }
0x16: {  	s18 =	simm.s32 $0x200;
	s20 =	simm.s32 $0x280;
	[dreg:$0x6] =	wrdreg s16  }
0x17: {  	s21 =	simm.s32 $0xD;
	[dreg:$0x7] =	wrdreg s9;
	s9 =	sadd.s32 s14, s17  }
0x18: {  	[dreg:$0xc] =	wrdreg s6;
	s24 =	sadd.s32 s22, s8;
	s25 =	sadd.s32 s22, s1  }
0x19: {  	s16 =	simm.s32 $0x180;
	s17 =	simm.s32 $0x80;
	[dreg:$0x9] =	wrdreg s9  }
0x1a: {  	s22 =	simm.s32 $0x1;
	s1 =	simm.s32 $0x6;
	[dreg:$0x4] =	wrdreg s24  }
0x1b: {  	s6 =	simm.s32 $0xA;
	s8 =	simm.s32 $0xC;
	[dreg:$0x5] =	wrdreg s25  }
0x1c: {  	s24 =	simm.s32 $0x2;
	s25 =	simm.s32 $0x4300;
	s9 =	simm.s32 $0x0  }
.LBB2_1:
0x1d: {  	s10 =	rddreg [dreg:$0x6]  }
0x1e: {  	s11 =	rddreg [dreg:$0x7]  }
0x1f: {  	[tilespmem:s4], [sflag:$0x1] =	stream.linear.gather [hbm4b:s10+s4], $0x80, $0x38;
	[tilespmem:$0x1FF00] =	vst v63  }
0x20: {  	s12 =	rddreg [dreg:$0x8]  }
0x21: {  	[tilespmem:s16], [sflag:$0x4] =	stream.linear.gather [hbm4b:s11+s4], $0x80, $0x38;
	[tilespmem:$0x1FF00] =	vst v63  }
0x22: {  	s14 =	rddreg [dreg:$0x9]  }
0x23: {  	[tilespmem:s17], [sflag:$0x2] =	stream.linear.gather [hbm4b:s12+s4], $0x80, $0x38;
	[tilespmem:$0x1FF00] =	vst v63  }
0x24: {  	s15 =	rddreg [dreg:$0xa]  }
0x25: {  	[tilespmem:s18], [sflag:$0x5] =	stream.linear.gather [hbm4b:s14+s4], $0x80, $0x38;
	[tilespmem:$0x1FF00] =	vst v63  }
0x26: {  	s11 =	rddreg [dreg:$0xb]  }
0x27: {  	[tilespmem:s19], [sflag:$0x3] =	stream.linear.gather [hbm4b:s15+s4], $0x80, $0x38;
	[tilespmem:$0x1FF00] =	vst v63  }
0x28: {  	s12 =	rddreg [dreg:$0xc]  }
0x29: {  	[tilespmem:s20], [sflag:$0x6] =	stream.linear.gather [hbm4b:s11+s4], $0x80, $0x38;
	[tilespmem:$0x1FF00] =	vst v63  }
0x2a: {  	s10 =	sshrl.u32 s12, $0x3;
	s11 =	rddreg [dreg:$0x1]  }
0x2b: {  	[spmem:s10], [sflag:s13] =	dma.local [hbm:s11], $0x2780  }
0x2c: {  	_ =	swait.ge [sflag:s21], $0x2780  }
0x2d: {  	[sflag:s21] =	ssyncset.done $0x0  }
0x2e: {  	[sflag:s21] =	ssyncadd.s32 $0xFFFFD880  }
0x2f: {  	_ =	swait.ge [sflag:s22], $0x80  }
0x30: {  	[sflag:s22] =	ssyncset.done $0x0  }
0x31: {  	[sflag:s22] =	ssyncadd.s32 $0xFFFFFF80  }
0x32: {  	[tilespmem:s23], [sflag:$0x7] =	stream.indirect.gather [hbm4b:s5+s17], $0x80, s4, s17, $0xb8;
	[tilespmem:$0x1FF00] =	vst v63  }
0x33: {  	_ =	swait.ge [sflag:s24], $0x80  }
0x34: {  	[sflag:s24] =	ssyncset.done $0x0  }
0x35: {  	[sflag:s24] =	ssyncadd.s32 $0xFFFFFF80  }
0x36: {  	[tilespmem:s25], [sflag:$0x8] =	stream.indirect.gather [hbm4b:s5+s17], $0x80, s17, s17, $0xb8;
	[tilespmem:$0x1FF00] =	vst v63  }
0x37: {  	_ =	swait.ge [sflag:s26], $0x80  }
0x38: {  	[sflag:s26] =	ssyncset.done $0x0  }
0x39: {  	[sflag:s26] =	ssyncadd.s32 $0xFFFFFF80  }
0x3a: {  	[tilespmem:s28], [sflag:$0x9] =	stream.indirect.gather [hbm4b:s5+s17], $0x80, s19, s17, $0xb8;
	[tilespmem:$0x1FF00] =	vst v63  }
0x3b: {  	[bflag:$0x0] =	sbarrier.arrive $0xFFFF  }
0x3c: {  	_ =	swait.ge [sflag:s29], $0x4000  }
0x3d: {  	s14 =	rddreg [dreg:$0x4]  }
0x3e: {  	[sflag:s29] =	ssyncset.done $0x0;
	s11 =	sadd.s32 $0x0, s14  }
0x3f: {  	[sflag:s29] =	ssyncadd.s32 $0xFFFFC000;
	s12 =	sadd.s32 $0x30, s11  }
0x40: {  	[tilespmem:s4], [sflag:$0x1] =	stream.linear.gather [hbm4b:s12+s4], $0x80, $0x38;
	[tilespmem:$0x1FF00] =	vst v63  }
0x41: {  	_ =	swait.ge [sflag:s30], $0x80  }
0x42: {  	[sflag:s30] =	ssyncset.done $0x0  }
0x43: {  	[sflag:s30] =	ssyncadd.s32 $0xFFFFFF80  }
0x44: {  	[spmem:s2] =	stream.indirect.scatter.add.f32 [tilespmem:s23], [sflag:$0xA], $0x80, s16, s17, $0xb8;
	[tilespmem:$0x1FF00] =	vst v63  }
0x45: {  	_ =	swait.ge [sflag:s31], $0x4000  }
0x46: {  	[sflag:s31] =	ssyncset.done $0x0  }
0x47: {  	s15 =	sadd.s32 $0x40, s11;
	[sflag:s31] =	ssyncadd.s32 $0xFFFFC000  }
0x48: {  	[tilespmem:s17], [sflag:$0x2] =	stream.linear.gather [hbm4b:s15+s4], $0x80, $0x38;
	[tilespmem:$0x1FF00] =	vst v63  }
0x49: {  	_ =	swait.ge [sflag:s0], $0x80  }
0x4a: {  	[sflag:s0] =	ssyncset.done $0x0  }
0x4b: {  	[sflag:s0] =	ssyncadd.s32 $0xFFFFFF80  }
0x4c: {  	[spmem:s2] =	stream.indirect.scatter.add.f32 [tilespmem:s25], [sflag:$0xB], $0x80, s18, s17, $0xb8;
	[tilespmem:$0x1FF00] =	vst v63  }
0x4d: {  	_ =	swait.ge [sflag:s3], $0x4000  }
0x4e: {  	[sflag:s3] =	ssyncset.done $0x0  }
0x4f: {  	s11 =	sadd.s32 $0x50, s11;
	[sflag:s3] =	ssyncadd.s32 $0xFFFFC000  }
0x50: {  	[tilespmem:s19], [sflag:$0x3] =	stream.linear.gather [hbm4b:s11+s4], $0x80, $0x38;
	[tilespmem:$0x1FF00] =	vst v63  }
0x51: {  	_ =	swait.ge [sflag:s1], $0x80  }
0x52: {  	[sflag:s1] =	ssyncset.done $0x0  }
0x53: {  	[sflag:s1] =	ssyncadd.s32 $0xFFFFFF80  }
0x54: {  	[spmem:s2] =	stream.indirect.scatter.add.f32 [tilespmem:s28], [sflag:$0xC], $0x80, s20, s17, $0xb8;
	[tilespmem:$0x1FF00] =	vst v63  }
0x55: {  	_ =	swait.ge [sflag:s6], $0x4000  }
0x56: {  	s12 =	rddreg [dreg:$0x5]  }
0x57: {  	[sflag:s6] =	ssyncset.done $0x0;
	s11 =	sadd.s32 $0x0, s12  }
0x58: {  	[sflag:s6] =	ssyncadd.s32 $0xFFFFC000;
	s14 =	sadd.s32 $0x30, s11  }
0x59: {  	[tilespmem:s16], [sflag:$0x4] =	stream.linear.gather [hbm4b:s14+s4], $0x80, $0x38;
	[tilespmem:$0x1FF00] =	vst v63  }
0x5a: {  	_ =	swait.ge [sflag:s22], $0x80  }
0x5b: {  	[sflag:s22] =	ssyncset.done $0x0  }
0x5c: {  	[sflag:s22] =	ssyncadd.s32 $0xFFFFFF80  }
0x5d: {  	[tilespmem:s23], [sflag:$0x7] =	stream.indirect.gather [hbm4b:s5+s17], $0x80, s4, s17, $0xb8;
	[tilespmem:$0x1FF00] =	vst v63  }
0x5e: {  	_ =	swait.ge [sflag:s7], $0x4000  }
0x5f: {  	[sflag:s7] =	ssyncset.done $0x0  }
0x60: {  	s15 =	sadd.s32 $0x40, s11;
	[sflag:s7] =	ssyncadd.s32 $0xFFFFC000  }
0x61: {  	[tilespmem:s18], [sflag:$0x5] =	stream.linear.gather [hbm4b:s15+s4], $0x80, $0x38;
	[tilespmem:$0x1FF00] =	vst v63  }
0x62: {  	_ =	swait.ge [sflag:s24], $0x80  }
0x63: {  	[sflag:s24] =	ssyncset.done $0x0  }
0x64: {  	[sflag:s24] =	ssyncadd.s32 $0xFFFFFF80  }
0x65: {  	[tilespmem:s25], [sflag:$0x8] =	stream.indirect.gather [hbm4b:s5+s17], $0x80, s17, s17, $0xb8;
	[tilespmem:$0x1FF00] =	vst v63  }
0x66: {  	_ =	swait.ge [sflag:s8], $0x4000  }
0x67: {  	[sflag:s8] =	ssyncset.done $0x0  }
0x68: {  	s11 =	sadd.s32 $0x50, s11;
	[sflag:s8] =	ssyncadd.s32 $0xFFFFC000  }
0x69: {  	[tilespmem:s20], [sflag:$0x6] =	stream.linear.gather [hbm4b:s11+s4], $0x80, $0x38;
	[tilespmem:$0x1FF00] =	vst v63  }
0x6a: {  	_ =	swait.ge [sflag:s26], $0x80  }
0x6b: {  	[sflag:s26] =	ssyncset.done $0x0  }
0x6c: {  	s11 =	simm.s32 $0x30;
	[sflag:s26] =	ssyncadd.s32 $0xFFFFFF80  }
.LBB2_2:
0x6d: {  	[tilespmem:s28], [sflag:$0x9] =	stream.indirect.gather [hbm4b:s5+s17], $0x80, s19, s17, $0xb8;
	[tilespmem:$0x1FF00] =	vst v63  }
0x6e: {  	_ =	swait.ge [sflag:s29], $0x4000  }
0x6f: {  	s12 =	smov.u32 s11;
	s14 =	rddreg [dreg:$0x4]  }
0x70: {  	[sflag:s29] =	ssyncset.done $0x0;
	s14 =	sadd.s32 s12, s14  }
0x71: {  	[sflag:s29] =	ssyncadd.s32 $0xFFFFC000;
	s15 =	sadd.s32 $0x30, s14  }
0x72: {  	[tilespmem:s4], [sflag:$0x1] =	stream.linear.gather [hbm4b:s15+s4], $0x80, $0x38;
	[tilespmem:$0x1FF00] =	vst v63  }
0x73: {  	_ =	swait.ge [sflag:s30], $0x80  }
0x74: {  	[sflag:s30] =	ssyncset.done $0x0  }
0x75: {  	[sflag:s30] =	ssyncadd.s32 $0xFFFFFF80  }
0x76: {  	[spmem:s2] =	stream.indirect.scatter.add.f32 [tilespmem:s23], [sflag:$0xA], $0x80, s16, s17, $0xb8;
	[tilespmem:$0x1FF00] =	vst v63  }
0x77: {  	_ =	swait.ge [sflag:s31], $0x4000  }
0x78: {  	[sflag:s31] =	ssyncset.done $0x0  }
0x79: {  	s15 =	sadd.s32 $0x40, s14;
	[sflag:s31] =	ssyncadd.s32 $0xFFFFC000  }
0x7a: {  	[tilespmem:s17], [sflag:$0x2] =	stream.linear.gather [hbm4b:s15+s4], $0x80, $0x38;
	[tilespmem:$0x1FF00] =	vst v63  }
0x7b: {  	_ =	swait.ge [sflag:s0], $0x80  }
0x7c: {  	[sflag:s0] =	ssyncset.done $0x0  }
0x7d: {  	[sflag:s0] =	ssyncadd.s32 $0xFFFFFF80  }
0x7e: {  	[spmem:s2] =	stream.indirect.scatter.add.f32 [tilespmem:s25], [sflag:$0xB], $0x80, s18, s17, $0xb8;
	[tilespmem:$0x1FF00] =	vst v63  }
0x7f: {  	_ =	swait.ge [sflag:s3], $0x4000  }
0x80: {  	[sflag:s3] =	ssyncset.done $0x0  }
0x81: {  	s14 =	sadd.s32 $0x50, s14;
	[sflag:s3] =	ssyncadd.s32 $0xFFFFC000  }
0x82: {  	[tilespmem:s19], [sflag:$0x3] =	stream.linear.gather [hbm4b:s14+s4], $0x80, $0x38;
	[tilespmem:$0x1FF00] =	vst v63  }
0x83: {  	_ =	swait.ge [sflag:s1], $0x80  }
0x84: {  	[sflag:s1] =	ssyncset.done $0x0  }
0x85: {  	[sflag:s1] =	ssyncadd.s32 $0xFFFFFF80  }
0x86: {  	[spmem:s2] =	stream.indirect.scatter.add.f32 [tilespmem:s28], [sflag:$0xC], $0x80, s20, s17, $0xb8;
	[tilespmem:$0x1FF00] =	vst v63  }
0x87: {  	_ =	swait.ge [sflag:s6], $0x4000  }
0x88: {  	s15 =	rddreg [dreg:$0x5]  }
0x89: {  	[sflag:s6] =	ssyncset.done $0x0;
	s12 =	sadd.s32 s12, s15  }
0x8a: {  	[sflag:s6] =	ssyncadd.s32 $0xFFFFC000;
	s14 =	sadd.s32 $0x30, s12  }
0x8b: {  	[tilespmem:s16], [sflag:$0x4] =	stream.linear.gather [hbm4b:s14+s4], $0x80, $0x38;
	[tilespmem:$0x1FF00] =	vst v63  }
0x8c: {  	_ =	swait.ge [sflag:s22], $0x80  }
0x8d: {  	[sflag:s22] =	ssyncset.done $0x0  }
0x8e: {  	[sflag:s22] =	ssyncadd.s32 $0xFFFFFF80  }
0x8f: {  	[tilespmem:s23], [sflag:$0x7] =	stream.indirect.gather [hbm4b:s5+s17], $0x80, s4, s17, $0xb8;
	[tilespmem:$0x1FF00] =	vst v63  }
0x90: {  	_ =	swait.ge [sflag:s7], $0x4000  }
0x91: {  	[sflag:s7] =	ssyncset.done $0x0  }
0x92: {  	s15 =	sadd.s32 $0x40, s12;
	[sflag:s7] =	ssyncadd.s32 $0xFFFFC000  }
0x93: {  	[tilespmem:s18], [sflag:$0x5] =	stream.linear.gather [hbm4b:s15+s4], $0x80, $0x38;
	[tilespmem:$0x1FF00] =	vst v63  }
0x94: {  	_ =	swait.ge [sflag:s24], $0x80  }
0x95: {  	[sflag:s24] =	ssyncset.done $0x0  }
0x96: {  	[sflag:s24] =	ssyncadd.s32 $0xFFFFFF80  }
0x97: {  	[tilespmem:s25], [sflag:$0x8] =	stream.indirect.gather [hbm4b:s5+s17], $0x80, s17, s17, $0xb8;
	[tilespmem:$0x1FF00] =	vst v63  }
0x98: {  	_ =	swait.ge [sflag:s8], $0x4000  }
0x99: {  	p0 =	sne.s32 s11, $0x4B0;
	[sflag:s8] =	ssyncset.done $0x0  }
.Ltmp0:
0x9a: {  	s12 =	sadd.s32 $0x50, s12;
	[sflag:s8] =	ssyncadd.s32 $0xFFFFC000;
	(pc) =	sbr.rel @p0 .LBB2_2-.Ltmp0, $4  }
0x9b: {  	[tilespmem:s20], [sflag:$0x6] =	stream.linear.gather [hbm4b:s12+s4], $0x80, $0x38;
	[tilespmem:$0x1FF00] =	vst v63  }
0x9c: {  	_ =	swait.ge [sflag:s26], $0x80  }
0x9d: {  	[sflag:s26] =	ssyncset.done $0x0  }
0x9e: {  	s11 =	sadd.s32 $0x30, s11;
	[sflag:s26] =	ssyncadd.s32 $0xFFFFFF80  }
0x9f: {  	[tilespmem:s28], [sflag:$0x9] =	stream.indirect.gather [hbm4b:s5+s17], $0x80, s19, s17, $0xb8;
	[tilespmem:$0x1FF00] =	vst v63  }
0xa0: {  	_ =	swait.ge [sflag:s29], $0x4000  }
0xa1: {  	[sflag:s29] =	ssyncset.done $0x0  }
0xa2: {  	[sflag:s29] =	ssyncadd.s32 $0xFFFFC000  }
0xa3: {  	_ =	swait.ge [sflag:s30], $0x80  }
0xa4: {  	[sflag:s30] =	ssyncset.done $0x0  }
0xa5: {  	[sflag:s30] =	ssyncadd.s32 $0xFFFFFF80  }
0xa6: {  	[spmem:s2] =	stream.indirect.scatter.add.f32 [tilespmem:s23], [sflag:$0xA], $0x80, s16, s17, $0xb8;
	[tilespmem:$0x1FF00] =	vst v63  }
0xa7: {  	_ =	swait.ge [sflag:s31], $0x4000  }
0xa8: {  	[sflag:s31] =	ssyncset.done $0x0  }
0xa9: {  	[sflag:s31] =	ssyncadd.s32 $0xFFFFC000  }
0xaa: {  	_ =	swait.ge [sflag:s0], $0x80  }
0xab: {  	[sflag:s0] =	ssyncset.done $0x0  }
0xac: {  	[sflag:s0] =	ssyncadd.s32 $0xFFFFFF80  }
0xad: {  	[spmem:s2] =	stream.indirect.scatter.add.f32 [tilespmem:s25], [sflag:$0xB], $0x80, s18, s17, $0xb8;
	[tilespmem:$0x1FF00] =	vst v63  }
0xae: {  	_ =	swait.ge [sflag:s3], $0x4000  }
0xaf: {  	[sflag:s3] =	ssyncset.done $0x0  }
0xb0: {  	[sflag:s3] =	ssyncadd.s32 $0xFFFFC000  }
0xb1: {  	_ =	swait.ge [sflag:s1], $0x80  }
0xb2: {  	[sflag:s1] =	ssyncset.done $0x0  }
0xb3: {  	[sflag:s1] =	ssyncadd.s32 $0xFFFFFF80  }
0xb4: {  	[spmem:s2] =	stream.indirect.scatter.add.f32 [tilespmem:s28], [sflag:$0xC], $0x80, s20, s17, $0xb8;
	[tilespmem:$0x1FF00] =	vst v63  }
0xb5: {  	_ =	swait.ge [sflag:s6], $0x4000  }
0xb6: {  	[sflag:s6] =	ssyncset.done $0x0  }
0xb7: {  	[sflag:s6] =	ssyncadd.s32 $0xFFFFC000  }
0xb8: {  	_ =	swait.ge [sflag:s7], $0x4000  }
0xb9: {  	[sflag:s7] =	ssyncset.done $0x0  }
0xba: {  	[sflag:s7] =	ssyncadd.s32 $0xFFFFC000  }
0xbb: {  	_ =	swait.ge [sflag:s8], $0x4000  }
0xbc: {  	[sflag:s8] =	ssyncset.done $0x0  }
0xbd: {  	[sflag:s8] =	ssyncadd.s32 $0xFFFFC000  }
0xbe: {  	[bflag:$0x0] =	sbarrier.arrive $0xFFFF  }
0xbf: {  	s11 =	rddreg [dreg:$0xd]  }
0xc0: {  	[hbm:s11], [sflag:s13] =	dma.local [spmem:s10], $0x2780  }
0xc1: {  	_ =	swait.ge [sflag:s21], $0x2780  }
0xc2: {  	s9 =	sadd.s32 $0x1, s9;
	s15 =	rddreg [dreg:$0xe]  }
0xc3: {  	p0 =	sne.s32 s9, s15  }
.Ltmp1:
0xc4: {  	_ = 	snop;
	(pc) =	sbr.rel @p0 .LBB2_1-.Ltmp1, $3  }
0xc5: {  	_ =	sdelay $0x1  }
0xc6: {  	[sflag:s21] =	ssyncset.done $0x0  }
0xc7: {  	[sflag:s21] =	ssyncadd.s32 $0xFFFFD880  }
0xc8: {  	_ =	sfence.sel $0x180000  }
0xc9: {  	[bflag:$0x0] =	sbarrier.arrive $0xFFFF  }
0xca: {  	_ =	strace $0x9000004A  }
0xcb: {  	s0 =	stileid.u32;
	[bflag:$0x2] =	sbarrier.arrive $0xFFFF  }
0xcc: {  	p0 =	sne.s32 s0, $0x0;
	s0 =	rddreg [dreg:$0x3]  }
0xcd: {  	s0 =	sadd.s32 @!p0 $0x100000, s0  }
0xce: {  	[sflag:s0] =	ssyncadd.tile.s32 @!p0 $0x1;
	_ =	shalt  }
.Lfunc_end2:
_tile_overlayer_lowered:
.L_overlay_start_2:
0xcf: {  	(tag) =	ssettag $0x2  }
0xd0: {  	s0 =	rddreg [dreg:$0x0];
	s2 =	stileid.u32  }
0xd1: {  	s1 =	rddreg [dreg:$0x1];
	p0 =	sne.s32 s2, $0x0  }
0xd2: {  	s3 =	rddreg [dreg:$0x2];
	[bflag:$0x3] =	sbarrier.arrive $0xFFFF;
	s2 =	simm.s32 @!p0 $0x1C0D  }
0xd3: {  	[timem:s3], [sflag:s2] =	dma.local @!p0 [hbm:s0], s1  }
0xd4: {  	s0 =	simm.s32 @!p0 $0xD  }
0xd5: {  	_ =	swait.ge @!p0 [sflag:s0], s1  }
0xd6: {  	s1 =	ssub.s32 @!p0 $0x0, s1;
	[sflag:s0] =	ssyncset.done @!p0 $0x0  }
0xd7: {  	[sflag:s0] =	ssyncadd.s32 @!p0 s1  }
0xd8: {  	[bflag:$0x3] =	sbarrier.arrive $0xFFFF  }
0xd9: {  	_ =	shalt  }

// kernel: kernel.14.cloned.1.call-start
scs
__scs_entry_jumppad:
0x0: {  	(pc) =	sbr.rel $0x88, $3  }
0x1: {  	(tag) =	ssettag $0x0;
	lr =	simm.s32 $0x1  }
0x2: {  	[smem:$0x3F9B] =	sst lr;
	_ =	strace $0xD0000000  }
0x3: {  	_ = 	snop  }
0x4: {  	_ = 	snop  }
0x5: {  	_ = 	snop  }
0x6: {  	_ = 	snop  }
0x7: {  	_ = 	snop  }
__scs_overlays_trampoline_lowered:
0x8: {  	[smem:$0x3FAA] =	sst s0  }
0x9: {  	[smem:$0x3FAB] =	sst s1  }
0xa: {  	[smem:$0x3FAC] =	sst s2  }
0xb: {  	[smem:$0x3FAD] =	sst s3  }
0xc: {  	[smem:$0x3FAE] =	sst s4  }
0xd: {  	[smem:$0x3FAF] =	sst s5  }
0xe: {  	[smem:$0x3FB0] =	sst s6  }
0xf: {  	[smem:$0x3FB1] =	sst s7  }
0x10: {  	[smem:$0x3FB2] =	sst s8  }
0x11: {  	[smem:$0x3FB3] =	sst s9;
	s0 =	simm.s32 @!p0 $0x0  }
0x12: {  	s1 =	sld [smem:$0x3F99];
	s0 =	simm.s32 @p0 $0x1  }
0x13: {  	[smem:$0x3FB4] =	sst s0;
	s0 =	simm.s32 @!p1 $0x0  }
0x14: {  	s2 =	sld [smem:$0x3F98];
	s0 =	simm.s32 @p1 $0x1  }
0x15: {  	[smem:$0x3FB5] =	sst s0;
	s0 =	simm.s32 @!p2 $0x0  }
0x16: {  	s3 =	sld [smem:$0x3FDB];
	s0 =	simm.s32 @p2 $0x1  }
0x17: {  	s4 =	simm.s32 $0x1BF5;
	[smem:$0x3FB7] =	sst s0  }
0x18: {  	s0 =	sld [smem:$0x3F9A];
	_ =	swait.ge [sflag:s4], $0x0  }
0x19: {  	s7 =	sld [smem:$0x3F9B]  }
0x1a: {  	s8 =	sadd.s32 $0xFFFFE003, lr  }
0x1b: {  	s9 =	sadd.s32 $0xFFFFFEF7, lr;
	s5 =	simm.s32 $0xFFFFFFFF;
	p2 =	slt.u32 s8, $0xFFFFF086  }
0x1c: {  	p1 =	slt.u32 s9, $0xF7A;
	s5 =	simm.s32 @!p2 $0x0  }
0x1d: {  	s5 =	simm.s32 @p1 $0x1;
	p0 =	seq.s32 s7, s2  }
0x1e: {  	s7 =	smul.u32 @!p0 $0xF7A, s2;
	p2 =	seq.s32 @!p0 s5, $0x0  }
0x1f: {  	s9 =	smul.u32 $0xF7A, s1;
	s8 =	simm.s32 @!p0 $0x1BF5;
	p2 =	por !p2, p0  }
0x20: {  	[sflag:s8] =	ssyncset.s32 @!p0 $0xFFFFF086;
	s6 =	sadd.s32 @!p0 s3, s7;
	s7 =	simm.s32 @!p0 $0x108  }
0x21: {  	s3 =	sadd.s32 s3, s9;
	s6 =	sadd.s32 @!p0 $0x88, s6;
	s7 =	simm.s32 @p2 $0x1082  }
0x22: {  	[simem:s7], [sflag:s8] =	dma.local @!p0 [hbm:s6], $0xF7A  }
0x23: {  	s9 =	sor.u32 $0xD0000000, s2;
	s6 =	simm.s32 $0x108;
	_ =	swait.ge @!p0 [sflag:s8], $0x0  }
0x24: {  	s3 =	sadd.s32 $0x88, s3;
	s6 =	simm.s32 @!p1 $0x1082;
	[sflag:s4] =	ssyncset.s32 $0xFFFFF086  }
0x25: {  	[simem:s6], [sflag:s4] =	dma.local [hbm:s3], $0xF7A  }
0x26: {  	[smem:$0x3F9B] =	sst s1;
	(tag) =	ssettag s2;
	_ =	strace s9  }
0x27: {  	s1 =	sld [smem:$0x3FAB]  }
0x28: {  	s2 =	sld [smem:$0x3FAC]  }
0x29: {  	s4 =	sld [smem:$0x3FAE]  }
0x2a: {  	p0 =	seq.s32 s5, $0x0;
	s5 =	sld [smem:$0x3FAF]  }
0x2b: {  	s6 =	sld [smem:$0x3FB0]  }
0x2c: {  	s7 =	sld [smem:$0x3FB1]  }
0x2d: {  	s3 =	simm.s32 $0x108;
	s8 =	sld [smem:$0x3FB2]  }
0x2e: {  	s3 =	simm.s32 @!p0 $0x1082;
	s9 =	sld [smem:$0x3FB3]  }
0x2f: {  	lr =	sadd.s32 s0, s3;
	s0 =	sld [smem:$0x3FAA]  }
0x30: {  	s3 =	sld [smem:$0x3FAD]  }
0x31: {  	[smem:$0x3FB6] =	sst s10  }
0x32: {  	s10 =	sld [smem:$0x3FB4];
	_ =	sdelay $0x3  }
0x33: {  	p0 =	seq.s32 s10, $0x1;
	s10 =	sld [smem:$0x3FB6];
	_ =	sdelay $0x3  }
0x34: {  	[smem:$0x3FB6] =	sst s10  }
0x35: {  	s10 =	sld [smem:$0x3FB5];
	_ =	sdelay $0x3  }
0x36: {  	p1 =	seq.s32 s10, $0x1;
	s10 =	sld [smem:$0x3FB6];
	_ =	sdelay $0x3  }
0x37: {  	[smem:$0x3FB6] =	sst s10  }
0x38: {  	s10 =	sld [smem:$0x3FB7]  }
0x39: {  	_ = 	snop;
	(pc) =	sbr.ind lr, $3  }
0x3a: {  	_ = 	snop  }
0x3b: {  	_ = 	snop  }
0x3c: {  	p2 =	seq.s32 s10, $0x1;
	s10 =	sld [smem:$0x3FB6]  }
0x3d: {  	_ =	shalt  }
0x3e: {  	_ =	shalt  }
0x3f: {  	_ =	shalt  }
0x40: {  	_ =	shalt  }
0x41: {  	_ =	shalt  }
0x42: {  	_ =	shalt  }
0x43: {  	_ =	shalt  }
0x44: {  	_ =	shalt  }
0x45: {  	_ =	shalt  }
0x46: {  	_ =	shalt  }
0x47: {  	_ =	shalt  }
0x48: {  	_ =	shalt  }
0x49: {  	_ =	shalt  }
0x4a: {  	_ =	shalt  }
0x4b: {  	_ =	shalt  }
0x4c: {  	_ =	shalt  }
0x4d: {  	_ =	shalt  }
0x4e: {  	_ =	shalt  }
0x4f: {  	_ =	shalt  }
0x50: {  	_ =	shalt  }
0x51: {  	_ =	shalt  }
0x52: {  	_ =	shalt  }
0x53: {  	_ =	shalt  }
0x54: {  	_ =	shalt  }
0x55: {  	_ =	shalt  }
0x56: {  	_ =	shalt  }
0x57: {  	_ =	shalt  }
0x58: {  	_ =	shalt  }
0x59: {  	_ =	shalt  }
0x5a: {  	_ =	shalt  }
0x5b: {  	_ =	shalt  }
0x5c: {  	_ =	shalt  }
0x5d: {  	_ =	shalt  }
0x5e: {  	_ =	shalt  }
0x5f: {  	_ =	shalt  }
0x60: {  	_ =	shalt  }
0x61: {  	_ =	shalt  }
0x62: {  	_ =	shalt  }
0x63: {  	_ =	shalt  }
0x64: {  	_ =	shalt  }
0x65: {  	_ =	shalt  }
0x66: {  	_ =	shalt  }
0x67: {  	_ =	shalt  }
0x68: {  	_ =	shalt  }
0x69: {  	_ =	shalt  }
0x6a: {  	_ =	shalt  }
0x6b: {  	_ =	shalt  }
0x6c: {  	_ =	shalt  }
0x6d: {  	_ =	shalt  }
0x6e: {  	_ =	shalt  }
0x6f: {  	_ =	shalt  }
0x70: {  	_ =	shalt  }
0x71: {  	_ =	shalt  }
0x72: {  	_ =	shalt  }
0x73: {  	_ =	shalt  }
0x74: {  	_ =	shalt  }
0x75: {  	_ =	shalt  }
0x76: {  	_ =	shalt  }
0x77: {  	_ =	shalt  }
0x78: {  	_ =	shalt  }
0x79: {  	_ =	shalt  }
0x7a: {  	_ =	shalt  }
0x7b: {  	_ =	shalt  }
0x7c: {  	_ =	shalt  }
0x7d: {  	_ =	shalt  }
0x7e: {  	_ =	shalt  }
0x7f: {  	_ =	shalt  }
0x80: {  	_ =	shalt  }
0x81: {  	_ =	shalt  }
0x82: {  	_ =	shalt  }
0x83: {  	_ =	shalt  }
0x84: {  	_ =	shalt  }
0x85: {  	_ =	shalt  }
0x86: {  	_ =	shalt  }
0x87: {  	_ =	shalt  }
.Lfunc_end0:
.L_simem_size_0:
called_computation.2_lowered:
.L_overlay_start_0:
0x88: {  	s2 =	sld [smem:$0x3FD9]  }
0x89: {  	s3 =	sld [smem:$0x3FFE];
	_ =	sdelay $0x1  }
0x8a: {  	s1 =	srdreg.scid  }
0x8b: {  	s0 =	sand.u32 $0x1, s1  }
0x8c: {  	s17 =	sshll.u32 s0, $0xA;
	s2 =	sadd.s32 s3, s2  }
0x8d: {  	s2 =	sadd.s32 s2, s17  }
0x8e: {  	[smem:$0x3FC2] =	sst s2  }
0x8f: {  	_ = 	snop  }
0x90: {  	s2 =	sld [smem:$0x3FD0];
	(tm) =	ssettm $0x1  }
0x91: {  	s18 =	sld [smem:$0x3FFB];
	_ =	sdelay $0x3  }
0x92: {  	_ =	strace s18  }
0x93: {  	s3 =	sld [smem:$0x3FFC];
	_ =	sdelay $0x3  }
0x94: {  	_ =	strace s3  }
0x95: {  	s3 =	sld [smem:$0x3FFD];
	_ =	sdelay $0x3  }
0x96: {  	_ =	strace s3  }
0x97: {  	_ =	strace $0x8FFFFFFF  }
0x98: {  	s19 =	sld [smem:$0x3FDB];
	_ =	sdelay $0x1  }
0x99: {  	s4 =	simm.s32 $_scs_section_size  }
0x9a: {  	s5 =	simm.s32 $_size__tile_overlayer_lowered;
	s6 =	simm.s32 $_tile_overlayer_lowered  }
0x9b: {  	s22 =	simm.s32 $0x1BFF;
	s21 =	sshll.u32 s6, $0x1;
	s3 =	sadd.s32 s4, s19  }
0x9c: {  	s7 =	simm.s32 $0x0;
	s20 =	sshll.u32 s5, $0x1;
	s5 =	sadd.s32 s21, s3  }
0x9d: {  	[timem:s7], [sflag:s22] =	dma.local [hbm:s5], s20  }
0x9e: {  	_ =	swait.ge [sflag:s22], s20  }
0x9f: {  	s4 =	ssub.s32 $0x0, s20;
	[sflag:s22] =	ssyncset.done $0x0  }
0xa0: {  	[sflag:s22] =	ssyncadd.s32 s4;
	_ =	sdelay $0x1  }
0xa1: {  	s23 =	simm.s32 $0x1B8B  }
0xa2: {  	_ =	swait.ge [sflag:s23], $0x1  }
0xa3: {  	[sflag:s23] =	ssyncset.done $0x0  }
0xa4: {  	s25 =	simm.s32 $0x1B8E;
	s24 =	sld [smem:$0x3FFE];
	[sflag:s23] =	ssyncadd.s32 $0xFFFFFFFF  }
0xa5: {  	s26 =	simm.s32 $execute0_lowered;
	[smem:$0x3FD2] =	sst s25  }
0xa6: {  	s5 =	sshll.u32 s26, $0x1;
	_ =	strace $0x8000004C;
	[dreg:$0x1] =	wrdreg $0xFFFFFFFF  }
0xa7: {  	s28 =	simm.s32 $_size_execute0_lowered;
	s3 =	sadd.s32 s3, s5;
	[dreg:$0x0] =	wrdreg $0x0  }
0xa8: {  	s5 =	sshll.u32 s28, $0x1;
	[dreg:$0x2] =	wrdreg s3  }
0xa9: {  	[dreg:$0x3] =	wrdreg s5  }
0xaa: {  	[dreg:$0x4] =	wrdreg $0xC0  }
0xab: {  	_ =	task [dreg:s7], $0x5FFFF  }
0xac: {  	[dreg:$0x1] =	wrdreg $0xFFFFFFFF  }
0xad: {  	[dreg:$0x0] =	wrdreg $0x60  }
0xae: {  	[dreg:$0x2] =	wrdreg s24  }
0xaf: {  	[dreg:$0x3] =	wrdreg s2  }
0xb0: {  	[dreg:$0x4] =	wrdreg $0xC3000  }
0xb1: {  	[dreg:$0x5] =	wrdreg $0x9  }
0xb2: {  	_ =	task.clear_ibuf [dreg:s7], $0x6FFFF;
	_ =	strace $0x9000004C  }
0xb3: {  	s29 =	simm.s32 $0x9;
	_ =	strace $0x8000004E  }
0xb4: {  	_ =	swait.ge [sflag:s29], $0x1  }
0xb5: {  	[sflag:s29] =	ssyncadd.s32 $0xFFFFFFFF  }
0xb6: {  	_ =	strace $0x9000004E  }
0xb7: {  	_ =	sfence  }
0xb8: {  	s30 =	sld [smem:$0x0];
	_ =	sdelay $0x2  }
0xb9: {  	s31 =	sshll.u32 s1, $0xD;
	s1 =	sshrl.u32 s1, $0x2  }
0xba: {  	s3 =	sand.u32 $0x4000, s31;
	s1 =	sadd.s32 s1, s30  }
0xbb: {  	s0 =	sor.u32 s3, s0;
	s1 =	sshll.u32 s1, $0x11  }
0xbc: {  	s0 =	sor.u32 s1, s0  }
0xbd: {  	s0 =	sadd.s32 $0x8F2B, s0  }
0xbe: {  	[sflag:s0] =	ssyncadd.remote.s32 $0x1  }
0xbf: {  	_ =	sfence.sel $0xFFFF  }
0xc0: {  	[dreg:$0x0] =	wrdreg $0xFFFFFFFF;
	(pc) =	sbr.abs _section_cstart, $3  }
0xc1: {  	[dreg:$0x1] =	wrdreg $0xFFFFFFFF  }
0xc2: {  	_ =	task.clear_ibuf [dreg:s7], $0x2FFFF;
	_ =	strace $0x9FFFFFFF  }
0xc3: {  	(tm) =	ssettm $0x7FFFFFFF  }
tec
execute0_lowered:
.L_overlay_start_1:
0x0: {  	(tag) =	ssettag $0x1  }
0x1: {  	s0 =	rddreg [dreg:$0x0]  }
0x2: {  	s2 =	rddreg [dreg:$0x2];
	s1 =	srdreg.scid;
	s4 =	simm.s32 $0x0  }
0x3: {  	s12 =	stileid.u32;
	s28 =	simm.s32 $0x8300;
	s29 =	simm.s32 $0x7  }
0x4: {  	s30 =	simm.s32 $0x4;
	s31 =	simm.s32 $0x8;
	s1 =	sand.u32 $0x1, s1  }
0x5: {  	[smem:$0x7FF] =	sst s4;
	s6 =	smul.u32 $0x13C00, s12;
	s5 =	sadd.s32 $0x21600, s0  }
0x6: {  	s8 =	sadd.s32 $0xD200, s0;
	s14 =	sadd.s32 $0x17400, s0;
	s19 =	smul.u32 $0x4F000, s12  }
0x7: {  	s9 =	sshll.u32 s12, $0x7;
	s22 =	smul.u32 $0x510, s12;
	s23 =	sshll.u32 s12, $0x6  }
0x8: {  	s3 =	smul.u32 $0x140000, s1;
	s7 =	sshll.u32 s1, $0x4;
	_ =	strace $0x8000004D  }
0x9: {  	s10 =	ssub.s32 $0x2, s1;
	s1 =	smul.u32 $0x5100, s1;
	s7 =	sor.u32 s12, s7  }
0xa: {  	s9 =	sand.u32 $0x380, s9;
	s15 =	sshrl.u32 s10, $0x1;
	s13 =	smul.u32 $0x2880, s7  }
0xb: {  	s21 =	sshrl.u32 s19, $0x2;
	s19 =	simm.s32 $0x100;
	s3 =	sadd.s32 s6, s3  }
0xc: {  	s7 =	simm.s32 $0xB;
	s3 =	sshrl.u32 s3, $0x3;
	s11 =	sand.u32 $0x7FC00, s13  }
0xd: {  	s0 =	sadd.s32 s3, s0;
	s3 =	ssub.s32 s10, s15;
	s6 =	sshrl.u32 s13, $0x3  }
0xe: {  	s13 =	sor.u32 $0x1C0D, s23;
	s23 =	simm.s32 $0x300;
	s9 =	sor.u32 s9, s11  }
0xf: {  	s17 =	sadd.s32 $0x10, s6;
	s6 =	sadd.s32 $0x20, s6;
	s0 =	sadd.s32 $0x49600, s0  }
0x10: {  	s26 =	smax.u32 s3, $0x1;
	s3 =	simm.s32 $0x9;
	[dreg:$0xd] =	wrdreg s0  }
0x11: {  	s9 =	sshrl.u32 s9, $0x3;
	s18 =	sadd.s32 s8, s17;
	[dreg:$0xe] =	wrdreg s26  }
0x12: {  	s20 =	sadd.s32 s8, s6;
	s6 =	sadd.s32 s14, s6;
	[dreg:$0x8] =	wrdreg s18  }
0x13: {  	s26 =	simm.s32 $0x3;
	s0 =	simm.s32 $0x5;
	[dreg:$0xa] =	wrdreg s20  }
0x14: {  	s16 =	sadd.s32 s8, s9;
	s9 =	sadd.s32 s14, s9;
	[dreg:$0xb] =	wrdreg s6  }
0x15: {  	s6 =	sadd.s32 s21, s2;
	s8 =	sadd.s32 s1, s8;
	s1 =	sadd.s32 s1, s14  }
0x16: {  	s18 =	simm.s32 $0x200;
	s20 =	simm.s32 $0x280;
	[dreg:$0x6] =	wrdreg s16  }
0x17: {  	s21 =	simm.s32 $0xD;
	[dreg:$0x7] =	wrdreg s9;
	s9 =	sadd.s32 s14, s17  }
0x18: {  	[dreg:$0xc] =	wrdreg s6;
	s24 =	sadd.s32 s22, s8;
	s25 =	sadd.s32 s22, s1  }
0x19: {  	s16 =	simm.s32 $0x180;
	s17 =	simm.s32 $0x80;
	[dreg:$0x9] =	wrdreg s9  }
0x1a: {  	s22 =	simm.s32 $0x1;
	s1 =	simm.s32 $0x6;
	[dreg:$0x4] =	wrdreg s24  }
0x1b: {  	s6 =	simm.s32 $0xA;
	s8 =	simm.s32 $0xC;
	[dreg:$0x5] =	wrdreg s25  }
0x1c: {  	s24 =	simm.s32 $0x2;
	s25 =	simm.s32 $0x4300;
	s9 =	simm.s32 $0x0  }
.LBB2_1:
0x1d: {  	s10 =	rddreg [dreg:$0x6]  }
0x1e: {  	s11 =	rddreg [dreg:$0x7]  }
0x1f: {  	[tilespmem:s4], [sflag:$0x1] =	stream.linear.gather [hbm4b:s10+s4], $0x80, $0x38;
	[tilespmem:$0x1FF00] =	vst v63  }
0x20: {  	s12 =	rddreg [dreg:$0x8]  }
0x21: {  	[tilespmem:s16], [sflag:$0x4] =	stream.linear.gather [hbm4b:s11+s4], $0x80, $0x38;
	[tilespmem:$0x1FF00] =	vst v63  }
0x22: {  	s14 =	rddreg [dreg:$0x9]  }
0x23: {  	[tilespmem:s17], [sflag:$0x2] =	stream.linear.gather [hbm4b:s12+s4], $0x80, $0x38;
	[tilespmem:$0x1FF00] =	vst v63  }
0x24: {  	s15 =	rddreg [dreg:$0xa]  }
0x25: {  	[tilespmem:s18], [sflag:$0x5] =	stream.linear.gather [hbm4b:s14+s4], $0x80, $0x38;
	[tilespmem:$0x1FF00] =	vst v63  }
0x26: {  	s11 =	rddreg [dreg:$0xb]  }
0x27: {  	[tilespmem:s19], [sflag:$0x3] =	stream.linear.gather [hbm4b:s15+s4], $0x80, $0x38;
	[tilespmem:$0x1FF00] =	vst v63  }
0x28: {  	s12 =	rddreg [dreg:$0xc]  }
0x29: {  	[tilespmem:s20], [sflag:$0x6] =	stream.linear.gather [hbm4b:s11+s4], $0x80, $0x38;
	[tilespmem:$0x1FF00] =	vst v63  }
0x2a: {  	s10 =	sshrl.u32 s12, $0x3;
	s11 =	rddreg [dreg:$0x1]  }
0x2b: {  	[spmem:s10], [sflag:s13] =	dma.local [hbm:s11], $0x2780  }
0x2c: {  	_ =	swait.ge [sflag:s21], $0x2780  }
0x2d: {  	[sflag:s21] =	ssyncset.done $0x0  }
0x2e: {  	[sflag:s21] =	ssyncadd.s32 $0xFFFFD880  }
0x2f: {  	_ =	swait.ge [sflag:s22], $0x80  }
0x30: {  	[sflag:s22] =	ssyncset.done $0x0  }
0x31: {  	[sflag:s22] =	ssyncadd.s32 $0xFFFFFF80  }
0x32: {  	[tilespmem:s23], [sflag:$0x7] =	stream.indirect.gather [hbm4b:s5+s17], $0x80, s4, s17, $0xb8;
	[tilespmem:$0x1FF00] =	vst v63  }
0x33: {  	_ =	swait.ge [sflag:s24], $0x80  }
0x34: {  	[sflag:s24] =	ssyncset.done $0x0  }
0x35: {  	[sflag:s24] =	ssyncadd.s32 $0xFFFFFF80  }
0x36: {  	[tilespmem:s25], [sflag:$0x8] =	stream.indirect.gather [hbm4b:s5+s17], $0x80, s17, s17, $0xb8;
	[tilespmem:$0x1FF00] =	vst v63  }
0x37: {  	_ =	swait.ge [sflag:s26], $0x80  }
0x38: {  	[sflag:s26] =	ssyncset.done $0x0  }
0x39: {  	[sflag:s26] =	ssyncadd.s32 $0xFFFFFF80  }
0x3a: {  	[tilespmem:s28], [sflag:$0x9] =	stream.indirect.gather [hbm4b:s5+s17], $0x80, s19, s17, $0xb8;
	[tilespmem:$0x1FF00] =	vst v63  }
0x3b: {  	[bflag:$0x0] =	sbarrier.arrive $0xFFFF  }
0x3c: {  	_ =	swait.ge [sflag:s29], $0x4000  }
0x3d: {  	s14 =	rddreg [dreg:$0x4]  }
0x3e: {  	[sflag:s29] =	ssyncset.done $0x0;
	s11 =	sadd.s32 $0x0, s14  }
0x3f: {  	[sflag:s29] =	ssyncadd.s32 $0xFFFFC000;
	s12 =	sadd.s32 $0x30, s11  }
0x40: {  	[tilespmem:s4], [sflag:$0x1] =	stream.linear.gather [hbm4b:s12+s4], $0x80, $0x38;
	[tilespmem:$0x1FF00] =	vst v63  }
0x41: {  	_ =	swait.ge [sflag:s30], $0x80  }
0x42: {  	[sflag:s30] =	ssyncset.done $0x0  }
0x43: {  	[sflag:s30] =	ssyncadd.s32 $0xFFFFFF80  }
0x44: {  	[spmem:s2] =	stream.indirect.scatter.add.f32 [tilespmem:s23], [sflag:$0xA], $0x80, s16, s17, $0xb8;
	[tilespmem:$0x1FF00] =	vst v63  }
0x45: {  	_ =	swait.ge [sflag:s31], $0x4000  }
0x46: {  	[sflag:s31] =	ssyncset.done $0x0  }
0x47: {  	s15 =	sadd.s32 $0x40, s11;
	[sflag:s31] =	ssyncadd.s32 $0xFFFFC000  }
0x48: {  	[tilespmem:s17], [sflag:$0x2] =	stream.linear.gather [hbm4b:s15+s4], $0x80, $0x38;
	[tilespmem:$0x1FF00] =	vst v63  }
0x49: {  	_ =	swait.ge [sflag:s0], $0x80  }
0x4a: {  	[sflag:s0] =	ssyncset.done $0x0  }
0x4b: {  	[sflag:s0] =	ssyncadd.s32 $0xFFFFFF80  }
0x4c: {  	[spmem:s2] =	stream.indirect.scatter.add.f32 [tilespmem:s25], [sflag:$0xB], $0x80, s18, s17, $0xb8;
	[tilespmem:$0x1FF00] =	vst v63  }
0x4d: {  	_ =	swait.ge [sflag:s3], $0x4000  }
0x4e: {  	[sflag:s3] =	ssyncset.done $0x0  }
0x4f: {  	s11 =	sadd.s32 $0x50, s11;
	[sflag:s3] =	ssyncadd.s32 $0xFFFFC000  }
0x50: {  	[tilespmem:s19], [sflag:$0x3] =	stream.linear.gather [hbm4b:s11+s4], $0x80, $0x38;
	[tilespmem:$0x1FF00] =	vst v63  }
0x51: {  	_ =	swait.ge [sflag:s1], $0x80  }
0x52: {  	[sflag:s1] =	ssyncset.done $0x0  }
0x53: {  	[sflag:s1] =	ssyncadd.s32 $0xFFFFFF80  }
0x54: {  	[spmem:s2] =	stream.indirect.scatter.add.f32 [tilespmem:s28], [sflag:$0xC], $0x80, s20, s17, $0xb8;
	[tilespmem:$0x1FF00] =	vst v63  }
0x55: {  	_ =	swait.ge [sflag:s6], $0x4000  }
0x56: {  	s12 =	rddreg [dreg:$0x5]  }
0x57: {  	[sflag:s6] =	ssyncset.done $0x0;
	s11 =	sadd.s32 $0x0, s12  }
0x58: {  	[sflag:s6] =	ssyncadd.s32 $0xFFFFC000;
	s14 =	sadd.s32 $0x30, s11  }
0x59: {  	[tilespmem:s16], [sflag:$0x4] =	stream.linear.gather [hbm4b:s14+s4], $0x80, $0x38;
	[tilespmem:$0x1FF00] =	vst v63  }
0x5a: {  	_ =	swait.ge [sflag:s22], $0x80  }
0x5b: {  	[sflag:s22] =	ssyncset.done $0x0  }
0x5c: {  	[sflag:s22] =	ssyncadd.s32 $0xFFFFFF80  }
0x5d: {  	[tilespmem:s23], [sflag:$0x7] =	stream.indirect.gather [hbm4b:s5+s17], $0x80, s4, s17, $0xb8;
	[tilespmem:$0x1FF00] =	vst v63  }
0x5e: {  	_ =	swait.ge [sflag:s7], $0x4000  }
0x5f: {  	[sflag:s7] =	ssyncset.done $0x0  }
0x60: {  	s15 =	sadd.s32 $0x40, s11;
	[sflag:s7] =	ssyncadd.s32 $0xFFFFC000  }
0x61: {  	[tilespmem:s18], [sflag:$0x5] =	stream.linear.gather [hbm4b:s15+s4], $0x80, $0x38;
	[tilespmem:$0x1FF00] =	vst v63  }
0x62: {  	_ =	swait.ge [sflag:s24], $0x80  }
0x63: {  	[sflag:s24] =	ssyncset.done $0x0  }
0x64: {  	[sflag:s24] =	ssyncadd.s32 $0xFFFFFF80  }
0x65: {  	[tilespmem:s25], [sflag:$0x8] =	stream.indirect.gather [hbm4b:s5+s17], $0x80, s17, s17, $0xb8;
	[tilespmem:$0x1FF00] =	vst v63  }
0x66: {  	_ =	swait.ge [sflag:s8], $0x4000  }
0x67: {  	[sflag:s8] =	ssyncset.done $0x0  }
0x68: {  	s11 =	sadd.s32 $0x50, s11;
	[sflag:s8] =	ssyncadd.s32 $0xFFFFC000  }
0x69: {  	[tilespmem:s20], [sflag:$0x6] =	stream.linear.gather [hbm4b:s11+s4], $0x80, $0x38;
	[tilespmem:$0x1FF00] =	vst v63  }
0x6a: {  	_ =	swait.ge [sflag:s26], $0x80  }
0x6b: {  	[sflag:s26] =	ssyncset.done $0x0  }
0x6c: {  	s11 =	simm.s32 $0x30;
	[sflag:s26] =	ssyncadd.s32 $0xFFFFFF80  }
.LBB2_2:
0x6d: {  	[tilespmem:s28], [sflag:$0x9] =	stream.indirect.gather [hbm4b:s5+s17], $0x80, s19, s17, $0xb8;
	[tilespmem:$0x1FF00] =	vst v63  }
0x6e: {  	_ =	swait.ge [sflag:s29], $0x4000  }
0x6f: {  	s12 =	smov.u32 s11;
	s14 =	rddreg [dreg:$0x4]  }
0x70: {  	[sflag:s29] =	ssyncset.done $0x0;
	s14 =	sadd.s32 s12, s14  }
0x71: {  	[sflag:s29] =	ssyncadd.s32 $0xFFFFC000;
	s15 =	sadd.s32 $0x30, s14  }
0x72: {  	[tilespmem:s4], [sflag:$0x1] =	stream.linear.gather [hbm4b:s15+s4], $0x80, $0x38;
	[tilespmem:$0x1FF00] =	vst v63  }
0x73: {  	_ =	swait.ge [sflag:s30], $0x80  }
0x74: {  	[sflag:s30] =	ssyncset.done $0x0  }
0x75: {  	[sflag:s30] =	ssyncadd.s32 $0xFFFFFF80  }
0x76: {  	[spmem:s2] =	stream.indirect.scatter.add.f32 [tilespmem:s23], [sflag:$0xA], $0x80, s16, s17, $0xb8;
	[tilespmem:$0x1FF00] =	vst v63  }
0x77: {  	_ =	swait.ge [sflag:s31], $0x4000  }
0x78: {  	[sflag:s31] =	ssyncset.done $0x0  }
0x79: {  	s15 =	sadd.s32 $0x40, s14;
	[sflag:s31] =	ssyncadd.s32 $0xFFFFC000  }
0x7a: {  	[tilespmem:s17], [sflag:$0x2] =	stream.linear.gather [hbm4b:s15+s4], $0x80, $0x38;
	[tilespmem:$0x1FF00] =	vst v63  }
0x7b: {  	_ =	swait.ge [sflag:s0], $0x80  }
0x7c: {  	[sflag:s0] =	ssyncset.done $0x0  }
0x7d: {  	[sflag:s0] =	ssyncadd.s32 $0xFFFFFF80  }
0x7e: {  	[spmem:s2] =	stream.indirect.scatter.add.f32 [tilespmem:s25], [sflag:$0xB], $0x80, s18, s17, $0xb8;
	[tilespmem:$0x1FF00] =	vst v63  }
0x7f: {  	_ =	swait.ge [sflag:s3], $0x4000  }
0x80: {  	[sflag:s3] =	ssyncset.done $0x0  }
0x81: {  	s14 =	sadd.s32 $0x50, s14;
	[sflag:s3] =	ssyncadd.s32 $0xFFFFC000  }
0x82: {  	[tilespmem:s19], [sflag:$0x3] =	stream.linear.gather [hbm4b:s14+s4], $0x80, $0x38;
	[tilespmem:$0x1FF00] =	vst v63  }
0x83: {  	_ =	swait.ge [sflag:s1], $0x80  }
0x84: {  	[sflag:s1] =	ssyncset.done $0x0  }
0x85: {  	[sflag:s1] =	ssyncadd.s32 $0xFFFFFF80  }
0x86: {  	[spmem:s2] =	stream.indirect.scatter.add.f32 [tilespmem:s28], [sflag:$0xC], $0x80, s20, s17, $0xb8;
	[tilespmem:$0x1FF00] =	vst v63  }
0x87: {  	_ =	swait.ge [sflag:s6], $0x4000  }
0x88: {  	s15 =	rddreg [dreg:$0x5]  }
0x89: {  	[sflag:s6] =	ssyncset.done $0x0;
	s12 =	sadd.s32 s12, s15  }
0x8a: {  	[sflag:s6] =	ssyncadd.s32 $0xFFFFC000;
	s14 =	sadd.s32 $0x30, s12  }
0x8b: {  	[tilespmem:s16], [sflag:$0x4] =	stream.linear.gather [hbm4b:s14+s4], $0x80, $0x38;
	[tilespmem:$0x1FF00] =	vst v63  }
0x8c: {  	_ =	swait.ge [sflag:s22], $0x80  }
0x8d: {  	[sflag:s22] =	ssyncset.done $0x0  }
0x8e: {  	[sflag:s22] =	ssyncadd.s32 $0xFFFFFF80  }
0x8f: {  	[tilespmem:s23], [sflag:$0x7] =	stream.indirect.gather [hbm4b:s5+s17], $0x80, s4, s17, $0xb8;
	[tilespmem:$0x1FF00] =	vst v63  }
0x90: {  	_ =	swait.ge [sflag:s7], $0x4000  }
0x91: {  	[sflag:s7] =	ssyncset.done $0x0  }
0x92: {  	s15 =	sadd.s32 $0x40, s12;
	[sflag:s7] =	ssyncadd.s32 $0xFFFFC000  }
0x93: {  	[tilespmem:s18], [sflag:$0x5] =	stream.linear.gather [hbm4b:s15+s4], $0x80, $0x38;
	[tilespmem:$0x1FF00] =	vst v63  }
0x94: {  	_ =	swait.ge [sflag:s24], $0x80  }
0x95: {  	[sflag:s24] =	ssyncset.done $0x0  }
0x96: {  	[sflag:s24] =	ssyncadd.s32 $0xFFFFFF80  }
0x97: {  	[tilespmem:s25], [sflag:$0x8] =	stream.indirect.gather [hbm4b:s5+s17], $0x80, s17, s17, $0xb8;
	[tilespmem:$0x1FF00] =	vst v63  }
0x98: {  	_ =	swait.ge [sflag:s8], $0x4000  }
0x99: {  	p0 =	sne.s32 s11, $0x4B0;
	[sflag:s8] =	ssyncset.done $0x0  }
.Ltmp0:
0x9a: {  	s12 =	sadd.s32 $0x50, s12;
	[sflag:s8] =	ssyncadd.s32 $0xFFFFC000;
	(pc) =	sbr.rel @p0 .LBB2_2-.Ltmp0, $4  }
0x9b: {  	[tilespmem:s20], [sflag:$0x6] =	stream.linear.gather [hbm4b:s12+s4], $0x80, $0x38;
	[tilespmem:$0x1FF00] =	vst v63  }
0x9c: {  	_ =	swait.ge [sflag:s26], $0x80  }
0x9d: {  	[sflag:s26] =	ssyncset.done $0x0  }
0x9e: {  	s11 =	sadd.s32 $0x30, s11;
	[sflag:s26] =	ssyncadd.s32 $0xFFFFFF80  }
0x9f: {  	[tilespmem:s28], [sflag:$0x9] =	stream.indirect.gather [hbm4b:s5+s17], $0x80, s19, s17, $0xb8;
	[tilespmem:$0x1FF00] =	vst v63  }
0xa0: {  	_ =	swait.ge [sflag:s29], $0x4000  }
0xa1: {  	[sflag:s29] =	ssyncset.done $0x0  }
0xa2: {  	[sflag:s29] =	ssyncadd.s32 $0xFFFFC000  }
0xa3: {  	_ =	swait.ge [sflag:s30], $0x80  }
0xa4: {  	[sflag:s30] =	ssyncset.done $0x0  }
0xa5: {  	[sflag:s30] =	ssyncadd.s32 $0xFFFFFF80  }
0xa6: {  	[spmem:s2] =	stream.indirect.scatter.add.f32 [tilespmem:s23], [sflag:$0xA], $0x80, s16, s17, $0xb8;
	[tilespmem:$0x1FF00] =	vst v63  }
0xa7: {  	_ =	swait.ge [sflag:s31], $0x4000  }
0xa8: {  	[sflag:s31] =	ssyncset.done $0x0  }
0xa9: {  	[sflag:s31] =	ssyncadd.s32 $0xFFFFC000  }
0xaa: {  	_ =	swait.ge [sflag:s0], $0x80  }
0xab: {  	[sflag:s0] =	ssyncset.done $0x0  }
0xac: {  	[sflag:s0] =	ssyncadd.s32 $0xFFFFFF80  }
0xad: {  	[spmem:s2] =	stream.indirect.scatter.add.f32 [tilespmem:s25], [sflag:$0xB], $0x80, s18, s17, $0xb8;
	[tilespmem:$0x1FF00] =	vst v63  }
0xae: {  	_ =	swait.ge [sflag:s3], $0x4000  }
0xaf: {  	[sflag:s3] =	ssyncset.done $0x0  }
0xb0: {  	[sflag:s3] =	ssyncadd.s32 $0xFFFFC000  }
0xb1: {  	_ =	swait.ge [sflag:s1], $0x80  }
0xb2: {  	[sflag:s1] =	ssyncset.done $0x0  }
0xb3: {  	[sflag:s1] =	ssyncadd.s32 $0xFFFFFF80  }
0xb4: {  	[spmem:s2] =	stream.indirect.scatter.add.f32 [tilespmem:s28], [sflag:$0xC], $0x80, s20, s17, $0xb8;
	[tilespmem:$0x1FF00] =	vst v63  }
0xb5: {  	_ =	swait.ge [sflag:s6], $0x4000  }
0xb6: {  	[sflag:s6] =	ssyncset.done $0x0  }
0xb7: {  	[sflag:s6] =	ssyncadd.s32 $0xFFFFC000  }
0xb8: {  	_ =	swait.ge [sflag:s7], $0x4000  }
0xb9: {  	[sflag:s7] =	ssyncset.done $0x0  }
0xba: {  	[sflag:s7] =	ssyncadd.s32 $0xFFFFC000  }
0xbb: {  	_ =	swait.ge [sflag:s8], $0x4000  }
0xbc: {  	[sflag:s8] =	ssyncset.done $0x0  }
0xbd: {  	[sflag:s8] =	ssyncadd.s32 $0xFFFFC000  }
0xbe: {  	[bflag:$0x0] =	sbarrier.arrive $0xFFFF  }
0xbf: {  	s11 =	rddreg [dreg:$0xd]  }
0xc0: {  	[hbm:s11], [sflag:s13] =	dma.local [spmem:s10], $0x2780  }
0xc1: {  	_ =	swait.ge [sflag:s21], $0x2780  }
0xc2: {  	s9 =	sadd.s32 $0x1, s9;
	s15 =	rddreg [dreg:$0xe]  }
0xc3: {  	p0 =	sne.s32 s9, s15  }
.Ltmp1:
0xc4: {  	_ = 	snop;
	(pc) =	sbr.rel @p0 .LBB2_1-.Ltmp1, $3  }
0xc5: {  	_ =	sdelay $0x1  }
0xc6: {  	[sflag:s21] =	ssyncset.done $0x0  }
0xc7: {  	[sflag:s21] =	ssyncadd.s32 $0xFFFFD880  }
0xc8: {  	_ =	sfence.sel $0x180000  }
0xc9: {  	[bflag:$0x0] =	sbarrier.arrive $0xFFFF  }
0xca: {  	_ =	strace $0x9000004D  }
0xcb: {  	s0 =	stileid.u32;
	[bflag:$0x2] =	sbarrier.arrive $0xFFFF  }
0xcc: {  	p0 =	sne.s32 s0, $0x0;
	s0 =	rddreg [dreg:$0x3]  }
0xcd: {  	s0 =	sadd.s32 @!p0 $0x100000, s0  }
0xce: {  	[sflag:s0] =	ssyncadd.tile.s32 @!p0 $0x1;
	_ =	shalt  }
.Lfunc_end2:
_tile_overlayer_lowered:
.L_overlay_start_2:
0xcf: {  	(tag) =	ssettag $0x2  }
0xd0: {  	s0 =	rddreg [dreg:$0x0];
	s2 =	stileid.u32  }
0xd1: {  	s1 =	rddreg [dreg:$0x1];
	p0 =	sne.s32 s2, $0x0  }
0xd2: {  	s3 =	rddreg [dreg:$0x2];
	[bflag:$0x3] =	sbarrier.arrive $0xFFFF;
	s2 =	simm.s32 @!p0 $0x1C0D  }
0xd3: {  	[timem:s3], [sflag:s2] =	dma.local @!p0 [hbm:s0], s1  }
0xd4: {  	s0 =	simm.s32 @!p0 $0xD  }
0xd5: {  	_ =	swait.ge @!p0 [sflag:s0], s1  }
0xd6: {  	s1 =	ssub.s32 @!p0 $0x0, s1;
	[sflag:s0] =	ssyncset.done @!p0 $0x0  }
0xd7: {  	[sflag:s0] =	ssyncadd.s32 @!p0 s1  }
0xd8: {  	[bflag:$0x3] =	sbarrier.arrive $0xFFFF  }
0xd9: {  	_ =	shalt  }

// kernel: kernel.8.cloned.1.call-start
scs
__scs_entry_jumppad:
0x0: {  	(pc) =	sbr.rel $0x88, $3  }
0x1: {  	(tag) =	ssettag $0x0;
	lr =	simm.s32 $0x1  }
0x2: {  	[smem:$0x3F9B] =	sst lr;
	_ =	strace $0xD0000000  }
0x3: {  	_ = 	snop  }
0x4: {  	_ = 	snop  }
0x5: {  	_ = 	snop  }
0x6: {  	_ = 	snop  }
0x7: {  	_ = 	snop  }
__scs_overlays_trampoline_lowered:
0x8: {  	[smem:$0x3FAA] =	sst s0  }
0x9: {  	[smem:$0x3FAB] =	sst s1  }
0xa: {  	[smem:$0x3FAC] =	sst s2  }
0xb: {  	[smem:$0x3FAD] =	sst s3  }
0xc: {  	[smem:$0x3FAE] =	sst s4  }
0xd: {  	[smem:$0x3FAF] =	sst s5  }
0xe: {  	[smem:$0x3FB0] =	sst s6  }
0xf: {  	[smem:$0x3FB1] =	sst s7  }
0x10: {  	[smem:$0x3FB2] =	sst s8  }
0x11: {  	[smem:$0x3FB3] =	sst s9;
	s0 =	simm.s32 @!p0 $0x0  }
0x12: {  	s1 =	sld [smem:$0x3F99];
	s0 =	simm.s32 @p0 $0x1  }
0x13: {  	[smem:$0x3FB4] =	sst s0;
	s0 =	simm.s32 @!p1 $0x0  }
0x14: {  	s2 =	sld [smem:$0x3F98];
	s0 =	simm.s32 @p1 $0x1  }
0x15: {  	[smem:$0x3FB5] =	sst s0;
	s0 =	simm.s32 @!p2 $0x0  }
0x16: {  	s3 =	sld [smem:$0x3FDB];
	s0 =	simm.s32 @p2 $0x1  }
0x17: {  	s4 =	simm.s32 $0x1BF5;
	[smem:$0x3FB7] =	sst s0  }
0x18: {  	s0 =	sld [smem:$0x3F9A];
	_ =	swait.ge [sflag:s4], $0x0  }
0x19: {  	s7 =	sld [smem:$0x3F9B]  }
0x1a: {  	s8 =	sadd.s32 $0xFFFFE003, lr  }
0x1b: {  	s9 =	sadd.s32 $0xFFFFFEF7, lr;
	s5 =	simm.s32 $0xFFFFFFFF;
	p2 =	slt.u32 s8, $0xFFFFF086  }
0x1c: {  	p1 =	slt.u32 s9, $0xF7A;
	s5 =	simm.s32 @!p2 $0x0  }
0x1d: {  	s5 =	simm.s32 @p1 $0x1;
	p0 =	seq.s32 s7, s2  }
0x1e: {  	s7 =	smul.u32 @!p0 $0xF7A, s2;
	p2 =	seq.s32 @!p0 s5, $0x0  }
0x1f: {  	s9 =	smul.u32 $0xF7A, s1;
	s8 =	simm.s32 @!p0 $0x1BF5;
	p2 =	por !p2, p0  }
0x20: {  	[sflag:s8] =	ssyncset.s32 @!p0 $0xFFFFF086;
	s6 =	sadd.s32 @!p0 s3, s7;
	s7 =	simm.s32 @!p0 $0x108  }
0x21: {  	s3 =	sadd.s32 s3, s9;
	s6 =	sadd.s32 @!p0 $0x88, s6;
	s7 =	simm.s32 @p2 $0x1082  }
0x22: {  	[simem:s7], [sflag:s8] =	dma.local @!p0 [hbm:s6], $0xF7A  }
0x23: {  	s9 =	sor.u32 $0xD0000000, s2;
	s6 =	simm.s32 $0x108;
	_ =	swait.ge @!p0 [sflag:s8], $0x0  }
0x24: {  	s3 =	sadd.s32 $0x88, s3;
	s6 =	simm.s32 @!p1 $0x1082;
	[sflag:s4] =	ssyncset.s32 $0xFFFFF086  }
0x25: {  	[simem:s6], [sflag:s4] =	dma.local [hbm:s3], $0xF7A  }
0x26: {  	[smem:$0x3F9B] =	sst s1;
	(tag) =	ssettag s2;
	_ =	strace s9  }
0x27: {  	s1 =	sld [smem:$0x3FAB]  }
0x28: {  	s2 =	sld [smem:$0x3FAC]  }
0x29: {  	s4 =	sld [smem:$0x3FAE]  }
0x2a: {  	p0 =	seq.s32 s5, $0x0;
	s5 =	sld [smem:$0x3FAF]  }
0x2b: {  	s6 =	sld [smem:$0x3FB0]  }
0x2c: {  	s7 =	sld [smem:$0x3FB1]  }
0x2d: {  	s3 =	simm.s32 $0x108;
	s8 =	sld [smem:$0x3FB2]  }
0x2e: {  	s3 =	simm.s32 @!p0 $0x1082;
	s9 =	sld [smem:$0x3FB3]  }
0x2f: {  	lr =	sadd.s32 s0, s3;
	s0 =	sld [smem:$0x3FAA]  }
0x30: {  	s3 =	sld [smem:$0x3FAD]  }
0x31: {  	[smem:$0x3FB6] =	sst s10  }
0x32: {  	s10 =	sld [smem:$0x3FB4];
	_ =	sdelay $0x3  }
0x33: {  	p0 =	seq.s32 s10, $0x1;
	s10 =	sld [smem:$0x3FB6];
	_ =	sdelay $0x3  }
0x34: {  	[smem:$0x3FB6] =	sst s10  }
0x35: {  	s10 =	sld [smem:$0x3FB5];
	_ =	sdelay $0x3  }
0x36: {  	p1 =	seq.s32 s10, $0x1;
	s10 =	sld [smem:$0x3FB6];
	_ =	sdelay $0x3  }
0x37: {  	[smem:$0x3FB6] =	sst s10  }
0x38: {  	s10 =	sld [smem:$0x3FB7]  }
0x39: {  	_ = 	snop;
	(pc) =	sbr.ind lr, $3  }
0x3a: {  	_ = 	snop  }
0x3b: {  	_ = 	snop  }
0x3c: {  	p2 =	seq.s32 s10, $0x1;
	s10 =	sld [smem:$0x3FB6]  }
0x3d: {  	_ =	shalt  }
0x3e: {  	_ =	shalt  }
0x3f: {  	_ =	shalt  }
0x40: {  	_ =	shalt  }
0x41: {  	_ =	shalt  }
0x42: {  	_ =	shalt  }
0x43: {  	_ =	shalt  }
0x44: {  	_ =	shalt  }
0x45: {  	_ =	shalt  }
0x46: {  	_ =	shalt  }
0x47: {  	_ =	shalt  }
0x48: {  	_ =	shalt  }
0x49: {  	_ =	shalt  }
0x4a: {  	_ =	shalt  }
0x4b: {  	_ =	shalt  }
0x4c: {  	_ =	shalt  }
0x4d: {  	_ =	shalt  }
0x4e: {  	_ =	shalt  }
0x4f: {  	_ =	shalt  }
0x50: {  	_ =	shalt  }
0x51: {  	_ =	shalt  }
0x52: {  	_ =	shalt  }
0x53: {  	_ =	shalt  }
0x54: {  	_ =	shalt  }
0x55: {  	_ =	shalt  }
0x56: {  	_ =	shalt  }
0x57: {  	_ =	shalt  }
0x58: {  	_ =	shalt  }
0x59: {  	_ =	shalt  }
0x5a: {  	_ =	shalt  }
0x5b: {  	_ =	shalt  }
0x5c: {  	_ =	shalt  }
0x5d: {  	_ =	shalt  }
0x5e: {  	_ =	shalt  }
0x5f: {  	_ =	shalt  }
0x60: {  	_ =	shalt  }
0x61: {  	_ =	shalt  }
0x62: {  	_ =	shalt  }
0x63: {  	_ =	shalt  }
0x64: {  	_ =	shalt  }
0x65: {  	_ =	shalt  }
0x66: {  	_ =	shalt  }
0x67: {  	_ =	shalt  }
0x68: {  	_ =	shalt  }
0x69: {  	_ =	shalt  }
0x6a: {  	_ =	shalt  }
0x6b: {  	_ =	shalt  }
0x6c: {  	_ =	shalt  }
0x6d: {  	_ =	shalt  }
0x6e: {  	_ =	shalt  }
0x6f: {  	_ =	shalt  }
0x70: {  	_ =	shalt  }
0x71: {  	_ =	shalt  }
0x72: {  	_ =	shalt  }
0x73: {  	_ =	shalt  }
0x74: {  	_ =	shalt  }
0x75: {  	_ =	shalt  }
0x76: {  	_ =	shalt  }
0x77: {  	_ =	shalt  }
0x78: {  	_ =	shalt  }
0x79: {  	_ =	shalt  }
0x7a: {  	_ =	shalt  }
0x7b: {  	_ =	shalt  }
0x7c: {  	_ =	shalt  }
0x7d: {  	_ =	shalt  }
0x7e: {  	_ =	shalt  }
0x7f: {  	_ =	shalt  }
0x80: {  	_ =	shalt  }
0x81: {  	_ =	shalt  }
0x82: {  	_ =	shalt  }
0x83: {  	_ =	shalt  }
0x84: {  	_ =	shalt  }
0x85: {  	_ =	shalt  }
0x86: {  	_ =	shalt  }
0x87: {  	_ =	shalt  }
.Lfunc_end0:
.L_simem_size_0:
called_computation_lowered:
.L_overlay_start_0:
0x88: {  	s2 =	sld [smem:$0x3FD9]  }
0x89: {  	s3 =	sld [smem:$0x3FFE];
	_ =	sdelay $0x1  }
0x8a: {  	s1 =	srdreg.scid  }
0x8b: {  	s0 =	sand.u32 $0x1, s1  }
0x8c: {  	s17 =	sshll.u32 s0, $0xA;
	s2 =	sadd.s32 s3, s2  }
0x8d: {  	s2 =	sadd.s32 s2, s17  }
0x8e: {  	[smem:$0x3FC2] =	sst s2  }
0x8f: {  	_ = 	snop  }
0x90: {  	s2 =	sld [smem:$0x3FD0];
	(tm) =	ssettm $0x1  }
0x91: {  	s18 =	sld [smem:$0x3FFB];
	_ =	sdelay $0x3  }
0x92: {  	_ =	strace s18  }
0x93: {  	s3 =	sld [smem:$0x3FFC];
	_ =	sdelay $0x3  }
0x94: {  	_ =	strace s3  }
0x95: {  	s3 =	sld [smem:$0x3FFD];
	_ =	sdelay $0x3  }
0x96: {  	_ =	strace s3  }
0x97: {  	_ =	strace $0x8FFFFFFF  }
0x98: {  	s19 =	sld [smem:$0x3FDB];
	_ =	sdelay $0x1  }
0x99: {  	s4 =	simm.s32 $_scs_section_size  }
0x9a: {  	s5 =	simm.s32 $_size__tile_overlayer_lowered;
	s6 =	simm.s32 $_tile_overlayer_lowered  }
0x9b: {  	s22 =	simm.s32 $0x1BFF;
	s21 =	sshll.u32 s6, $0x1;
	s3 =	sadd.s32 s4, s19  }
0x9c: {  	s7 =	simm.s32 $0x0;
	s20 =	sshll.u32 s5, $0x1;
	s5 =	sadd.s32 s21, s3  }
0x9d: {  	[timem:s7], [sflag:s22] =	dma.local [hbm:s5], s20  }
0x9e: {  	_ =	swait.ge [sflag:s22], s20  }
0x9f: {  	s4 =	ssub.s32 $0x0, s20;
	[sflag:s22] =	ssyncset.done $0x0  }
0xa0: {  	[sflag:s22] =	ssyncadd.s32 s4;
	_ =	sdelay $0x1  }
0xa1: {  	s23 =	simm.s32 $0x1B8B  }
0xa2: {  	_ =	swait.ge [sflag:s23], $0x1  }
0xa3: {  	[sflag:s23] =	ssyncset.done $0x0  }
0xa4: {  	s25 =	simm.s32 $0x1B8E;
	s24 =	sld [smem:$0x3FFE];
	[sflag:s23] =	ssyncadd.s32 $0xFFFFFFFF  }
0xa5: {  	s26 =	simm.s32 $execute0_lowered;
	[smem:$0x3FD2] =	sst s25  }
0xa6: {  	s5 =	sshll.u32 s26, $0x1;
	_ =	strace $0x80000046;
	[dreg:$0x1] =	wrdreg $0xFFFFFFFF  }
0xa7: {  	s28 =	simm.s32 $_size_execute0_lowered;
	s3 =	sadd.s32 s3, s5;
	[dreg:$0x0] =	wrdreg $0x0  }
0xa8: {  	s5 =	sshll.u32 s28, $0x1;
	[dreg:$0x2] =	wrdreg s3  }
0xa9: {  	[dreg:$0x3] =	wrdreg s5  }
0xaa: {  	[dreg:$0x4] =	wrdreg $0xC0  }
0xab: {  	_ =	task [dreg:s7], $0x5FFFF  }
0xac: {  	[dreg:$0x1] =	wrdreg $0xFFFFFFFF  }
0xad: {  	[dreg:$0x0] =	wrdreg $0x60  }
0xae: {  	[dreg:$0x2] =	wrdreg s2  }
0xaf: {  	[dreg:$0x3] =	wrdreg s24  }
0xb0: {  	[dreg:$0x4] =	wrdreg $0x9  }
0xb1: {  	_ =	task.clear_ibuf [dreg:s7], $0x5FFFF;
	_ =	strace $0x90000046  }
0xb2: {  	s29 =	simm.s32 $0x9;
	_ =	strace $0x80000048  }
0xb3: {  	_ =	swait.ge [sflag:s29], $0x1  }
0xb4: {  	[sflag:s29] =	ssyncadd.s32 $0xFFFFFFFF  }
0xb5: {  	_ =	strace $0x90000048  }
0xb6: {  	_ =	sfence  }
0xb7: {  	s30 =	sld [smem:$0x0];
	_ =	sdelay $0x2  }
0xb8: {  	s31 =	sshll.u32 s1, $0xD;
	s1 =	sshrl.u32 s1, $0x2  }
0xb9: {  	s3 =	sand.u32 $0x4000, s31;
	s1 =	sadd.s32 s1, s30  }
0xba: {  	s0 =	sor.u32 s3, s0;
	s1 =	sshll.u32 s1, $0x11  }
0xbb: {  	s0 =	sor.u32 s1, s0  }
0xbc: {  	s0 =	sadd.s32 $0x8F2B, s0  }
0xbd: {  	[sflag:s0] =	ssyncadd.remote.s32 $0x1  }
0xbe: {  	_ =	sfence.sel $0xFFFF  }
0xbf: {  	[dreg:$0x0] =	wrdreg $0xFFFFFFFF;
	(pc) =	sbr.abs _section_cstart, $3  }
0xc0: {  	[dreg:$0x1] =	wrdreg $0xFFFFFFFF  }
0xc1: {  	_ =	task.clear_ibuf [dreg:s7], $0x2FFFF;
	_ =	strace $0x9FFFFFFF  }
0xc2: {  	(tm) =	ssettm $0x7FFFFFFF  }
0xc3: {  	_ =	shalt  }
tec
execute0_lowered:
.L_overlay_start_1:
0x0: {  	(tag) =	ssettag $0x1  }
0x1: {  	s0 =	srdreg.scid;
	s4 =	rddreg [dreg:$0x0]  }
0x2: {  	s5 =	rddreg [dreg:$0x1];
	s2 =	simm.s32 $0x0;
	s3 =	sand.u32 $0x1, s0  }
0x3: {  	s10 =	simm.s32 $0x80;
	s0 =	stileid.u32;
	s1 =	sshll.u32 s3, $0x4  }
0x4: {  	s11 =	simm.s32 $0x400;
	s12 =	simm.s32 $0x0;
	s6 =	sor.u32 s0, s1  }
0x5: {  	[smem:$0x7FF] =	sst s2;
	s8 =	sshll.u32 s0, $0x7;
	s7 =	sshrl.u32 s6, $0x3  }
0x6: {  	s30 =	ssub.s32 $0x2, s3;
	s3 =	sadd.s32 $0x2C00, s5;
	s7 =	smul.u32 $0x14000, s7  }
0x7: {  	s1 =	rddreg [dreg:$0x2];
	s8 =	sand.u32 $0x380, s8;
	_ =	strace $0x80000047  }
0x8: {  	s9 =	sshrl.u32 s30, $0x1;
	s6 =	smul.u32 $0x510, s6;
	s7 =	sor.u32 s8, s7  }
0x9: {  	s31 =	ssub.s32 s30, s9;
	s9 =	simm.s32 $0x2;
	s7 =	sshrl.u32 s7, $0x3  }
0xa: {  	s4 =	sadd.s32 s4, s6;
	s6 =	smax.u32 s31, $0x1;
	s5 =	sadd.s32 s7, s5  }
0xb: {  	v0 =	vimm.f32 $1.000000000e+00;
	s8 =	simm.s32 $0x2880;
	s7 =	simm.s32 $0x1;
	s5 =	sadd.s32 $0x3200, s5  }
.LBB2_1:
0xc: {  	[tilespmem:s2], [sflag:$0x1] =	stream.linear.gather [hbm4b:s4+s2], $0x2880, $0x38;
	[tilespmem:$0x5080] =	vst v63  }
0xd: {  	_ =	swait.ge [sflag:s7], $0x2880  }
0xe: {  	[sflag:s7] =	ssyncset.done $0x0  }
0xf: {  	[sflag:s7] =	ssyncadd.s32 $0xFFFFD780  }
0x10: {  	[tilespmem:s8], [sflag:$0x2] =	stream.linear.gather [hbm4b:s3+s2], $0x2800, $0x38;
	[tilespmem:$0x5080] =	vst v63  }
0x11: {  	_ =	swait.ge [sflag:s9], $0x2800  }
0x12: {  	[sflag:s9] =	ssyncset.done $0x0  }
0x13: {  	s13 =	simm.s32 $0x0;
	[sflag:s9] =	ssyncadd.s32 $0xFFFFD800  }
.LBB2_2:
0x14: {  	s14 =	sshra.s32 s13, $0x2  }
0x15: {  	v1 =	vld [tilespmem:s14+$0x0];
	_ =	sdelay $0x7  }
0x16: {  	[tilespmem:v1+s8+$0x0] =	vst.idx.add.f32.msk $0xffff, v0  }
0x17: {  	v1 =	vld [tilespmem:s14+$0x10];
	_ =	sdelay $0x7  }
0x18: {  	[tilespmem:v1+s8+$0x0] =	vst.idx.add.f32.msk $0xffff, v0  }
0x19: {  	v1 =	vld [tilespmem:s14+$0x20];
	_ =	sdelay $0x7  }
0x1a: {  	[tilespmem:v1+s8+$0x0] =	vst.idx.add.f32.msk $0xffff, v0  }
0x1b: {  	v1 =	vld [tilespmem:s14+$0x30];
	_ =	sdelay $0x2  }
0x1c: {  	p0 =	sne.s32 s13, $0xA100  }
.Ltmp0:
0x1d: {  	_ = 	snop;
	(pc) =	sbr.rel @p0 .LBB2_2-.Ltmp0, $2  }
0x1e: {  	_ =	sdelay $0x2  }
0x1f: {  	s13 =	sadd.s32 $0x100, s13;
	[tilespmem:v1+s8+$0x0] =	vst.idx.add.f32.msk $0xffff, v0  }
0x20: {  	s12 =	sadd.s32 $0x1, s12  }
0x21: {  	p0 =	sne.s32 s12, s6  }
.Ltmp1:
0x22: {  	_ = 	snop;
	(pc) =	sbr.rel @p0 .LBB2_1-.Ltmp1, $4  }
0x23: {  	[hbm4b:s5+s10] =	stream.strided.scatter [tilespmem:s8], [sflag:$0x2], $0x2800, s11, s10, $0x38;
	[tilespmem:$0x5080] =	vst v63  }
0x24: {  	_ =	swait.ge [sflag:s9], $0x2800  }
0x25: {  	[sflag:s9] =	ssyncset.done $0x0  }
0x26: {  	[sflag:s9] =	ssyncadd.s32 $0xFFFFD800  }
0x27: {  	_ =	sfence.sel $0x180000  }
0x28: {  	[bflag:$0x0] =	sbarrier.arrive $0xFFFF  }
0x29: {  	p0 =	sne.s32 s0, $0x0;
	_ =	strace $0x90000047  }
0x2a: {  	s0 =	sadd.s32 @!p0 $0x100000, s1;
	[bflag:$0x2] =	sbarrier.arrive $0xFFFF  }
0x2b: {  	[sflag:s0] =	ssyncadd.tile.s32 @!p0 $0x1;
	_ =	shalt  }
.Lfunc_end2:
_tile_overlayer_lowered:
.L_overlay_start_2:
0x2c: {  	(tag) =	ssettag $0x2  }
0x2d: {  	s0 =	rddreg [dreg:$0x0];
	s2 =	stileid.u32  }
0x2e: {  	s1 =	rddreg [dreg:$0x1];
	p0 =	sne.s32 s2, $0x0  }
0x2f: {  	s3 =	rddreg [dreg:$0x2];
	[bflag:$0x3] =	sbarrier.arrive $0xFFFF;
	s2 =	simm.s32 @!p0 $0x1C02  }
0x30: {  	[timem:s3], [sflag:s2] =	dma.local @!p0 [hbm:s0], s1  }
0x31: {  	s0 =	simm.s32 @!p0 $0x2  }
0x32: {  	_ =	swait.ge @!p0 [sflag:s0], s1  }
0x33: {  	s1 =	ssub.s32 @!p0 $0x0, s1;
	[sflag:s0] =	ssyncset.done @!p0 $0x0  }
0x34: {  	[sflag:s0] =	ssyncadd.s32 @!p0 s1  }
0x35: {  	[bflag:$0x3] =	sbarrier.arrive $0xFFFF  }
0x36: {  	_ =	shalt  }

</sc_bundles>
